<compile_context>
chip_gen: v7x
topology: tpu7x:2x2x1
jax: 0.10.2.dev20260603
libtpu: 0.0.44.dev20260713+nightly
codegen_flags: <defaults>
</compile_context>

<pallas_src>
import functools

import jax
import jax.numpy as jnp
from jax import lax
from jax.experimental import pallas as pl
from jax.experimental.pallas import tpu as pltpu
from jax.experimental.pallas import tpu_sc as plsc

NC = 2
NS = 16
NW = NC * NS
CHUNK = 128
D = 128
NB = 5
LOOKAHEAD = 4


@functools.cache
def _emb_kernel(n_idx: int):
  b_per_w = n_idx // NW
  n_chunks = b_per_w // CHUNK
  assert n_chunks % NB == 0
  mesh = plsc.VectorSubcoreMesh(
      core_axis_name="c", subcore_axis_name="s", num_cores=NC, num_subcores=NS
  )

  @functools.partial(
      pl.kernel,
      out_type=jax.ShapeDtypeStruct((n_idx, D), jnp.float32),
      mesh=mesh,
      scratch_types=[
          pltpu.VMEM((b_per_w,), jnp.int32),
          pltpu.VMEM((NB, CHUNK, D), jnp.float32),
          [pltpu.SemaphoreType.DMA for _ in range(NB)],
          [pltpu.SemaphoreType.DMA for _ in range(NB)],
      ],
  )
  def k(words_hbm, table_hbm, out_hbm, idx_v, rows_v, gsems, osems):
    wid = lax.axis_index("s") * NC + lax.axis_index("c")
    base = wid * b_per_w
    pltpu.sync_copy(words_hbm.at[pl.ds(base, b_per_w)], idx_v)

    def fire_gather(c, slot):
      pltpu.async_copy(
          table_hbm.at[idx_v.at[pl.ds(c * CHUNK, CHUNK)]],
          rows_v.at[slot],
          gsems[slot],
          priority=1,
      )

    def wait_write(slot):
      pltpu.make_async_copy(
          table_hbm.at[pl.ds(0, CHUNK)], rows_v.at[slot], osems[slot]
      ).wait()

    for c in range(LOOKAHEAD):
      fire_gather(c, c % NB)

    def outer(o, _):
      for b in range(NB):
        j = o * NB + b
        pltpu.make_async_copy(
            table_hbm.at[pl.ds(0, CHUNK)], rows_v.at[b], gsems[b]
        ).wait()
        pltpu.async_copy(
            rows_v.at[b],
            out_hbm.at[pl.ds(base + j * CHUNK, CHUNK)],
            osems[b],
        )
        nb = (b + LOOKAHEAD) % NB

        @pl.when(j + LOOKAHEAD < n_chunks)
        def _():
          @pl.when(j + LOOKAHEAD >= NB)
          def _():
            wait_write(nb)

          fire_gather(j + LOOKAHEAD, nb)

      return 0

    lax.fori_loop(0, n_chunks // NB, outer, 0)

    for b in range(NB):
      wait_write(b)

  return k


def kernel(words, table):
  b, h = words.shape
  idx = words.T.reshape(-1).astype(jnp.int32)
  out = _emb_kernel(idx.shape[0])(idx, table.astype(jnp.float32))
  return out.reshape(h, b, D).transpose(1, 0, 2)

# --- scband reference (transcript-rebuilt; emitter-appended) ---
"""Pipeline reference for scband-pinyin-token-embedding-13915694039728 (READ-ONLY COPY).

The authoritative reference and input builder live on the scoring server;
editing this copy changes nothing except your own understanding.
"""

import jax, jax.numpy as jnp
import numpy as np

VOCAB = 100000
N_STATE = 128
BATCH = 4096
HIST = 50

def setup_inputs(seed: int = 0) -> dict:
    key = jax.random.key(seed)
    k1, k2 = jax.random.split(key)
    words = jax.random.randint(k1, (BATCH, HIST), 0, VOCAB, dtype=jnp.int64)
    # nn.Embedding default init: N(0, 1)
    table = jax.random.normal(k2, (VOCAB, N_STATE), dtype=jnp.float32)
    return {"words": words, "table": table}

def reference(words, table):
    # PinyinTokenEmbedding.forward: self.pinyin_token_embedding(words)
    return jnp.take(table, words, axis=0)

if __name__ == "__main__":
    import jax
    _d = setup_inputs()
    print(jax.jit(kernel)(*tuple(_d.values())))

</pallas_src>

<mosaic_0001>
#map = affine_map<(d0, d1) -> (0)>
#map1 = affine_map<(d0, d1) -> (0, 0)>
module attributes {stable_mosaic.version = 14 : i64} {
  func.func @k(%arg0: i32, %arg1: i32, %arg2: memref<204800xi32, #tpu.memory_space<hbm>>, %arg3: memref<100000x128xf32, #tpu.memory_space<hbm>>, %arg4: memref<204800x128xf32, #tpu.memory_space<hbm>>, %arg5: memref<6400xi32, #tpu.memory_space<vmem>>, %arg6: memref<5x128x128xf32, #tpu.memory_space<vmem>>, %arg7: memref<!tpu.dma_semaphore, #tpu.memory_space<semaphore_mem>>, %arg8: memref<!tpu.dma_semaphore, #tpu.memory_space<semaphore_mem>>, %arg9: memref<!tpu.dma_semaphore, #tpu.memory_space<semaphore_mem>>, %arg10: memref<!tpu.dma_semaphore, #tpu.memory_space<semaphore_mem>>, %arg11: memref<!tpu.dma_semaphore, #tpu.memory_space<semaphore_mem>>, %arg12: memref<!tpu.dma_semaphore, #tpu.memory_space<semaphore_mem>>, %arg13: memref<!tpu.dma_semaphore, #tpu.memory_space<semaphore_mem>>, %arg14: memref<!tpu.dma_semaphore, #tpu.memory_space<semaphore_mem>>, %arg15: memref<!tpu.dma_semaphore, #tpu.memory_space<semaphore_mem>>, %arg16: memref<!tpu.dma_semaphore, #tpu.memory_space<semaphore_mem>>) attributes {dimension_semantics = [#tpu.dimension_semantics<core_parallel>, #tpu.dimension_semantics<subcore_parallel>], iteration_bounds = array<i64: 2, 16>, scalar_prefetch = 0 : i64, scratch_operands = 12 : i64, tpu.core_type = #tpu.core_type<sc_vector_subcore>, window_params = [{transform_indices = #map}, {transform_indices = #map1}, {transform_indices = #map1}]} {
    %mul3A = arith.constant 2 : i32
    %mul3A_0 = arith.muli %arg1, %mul3A : i32
    %add3A = arith.addi %mul3A_0, %arg0 : i32
    %mul3A_1 = arith.constant 6400 : i32
    %mul3A_2 = arith.muli %add3A, %mul3A_1 : i32
    "tpu.region"() ({
      %run_scoped3A = tpu.sem_alloc : memref<!tpu.dma_semaphore, #tpu.memory_space<semaphore_mem>>
      %dma_start3A_122 = tpu.memref_slice %arg2[%mul3A_2] : memref<204800xi32, #tpu.memory_space<hbm>> -> memref<6400xi32, #tpu.memory_space<hbm>>
      %dma_start3A_123 = tpu.memref_slice %arg2[%mul3A_2] : memref<204800xi32, #tpu.memory_space<hbm>> -> memref<6400xi32, #tpu.memory_space<hbm>>
      tpu.enqueue_dma source(%dma_start3A_123 : memref<6400xi32, #tpu.memory_space<hbm>>) target(%arg5 : memref<6400xi32, #tpu.memory_space<vmem>>) target_semaphore(%run_scoped3A : memref<!tpu.dma_semaphore, #tpu.memory_space<semaphore_mem>>)
      %dma_wait3A_124 = tpu.memref_slice %arg2[%mul3A_2] : memref<204800xi32, #tpu.memory_space<hbm>> -> memref<6400xi32, #tpu.memory_space<hbm>>
      %dma_wait3A_125 = tpu.memref_slice %arg2[%mul3A_2] : memref<204800xi32, #tpu.memory_space<hbm>> -> memref<6400xi32, #tpu.memory_space<hbm>>
      tpu.wait_dma2 semaphore(%run_scoped3A : memref<!tpu.dma_semaphore, #tpu.memory_space<semaphore_mem>>) src(%dma_wait3A_125 : memref<6400xi32, #tpu.memory_space<hbm>>) dst(%arg5 : memref<6400xi32, #tpu.memory_space<vmem>>)
      tpu.yield
    }) : () -> ()
    %dma_start3A = arith.constant 0 : i32
    %dma_start3A_3 = arith.constant 0 : i32
    %dma_start3A_4 = arith.constant 0 : i32
    %dma_start3A_5 = tpu.memref_slice %arg6[%dma_start3A, %dma_start3A_3, %dma_start3A_4] : memref<5x128x128xf32, #tpu.memory_space<vmem>> -> memref<1x128x128xf32, #tpu.memory_space<vmem>>
    %dma_start3A_6 = tpu.memref_squeeze %dma_start3A_5 : memref<1x128x128xf32, #tpu.memory_space<vmem>> -> memref<128x128xf32, #tpu.memory_space<vmem>>
    %dma_start3A_7 = arith.constant 0 : i32
    %dma_start3A_8 = tpu.memref_slice %arg5[%dma_start3A_7] : memref<6400xi32, #tpu.memory_space<vmem>> -> memref<128xi32, #tpu.memory_space<vmem>>
    %dma_start3A_9 = arith.constant 0 : i32
    %dma_start3A_10 = arith.constant 0 : i32
    %dma_start3A_11 = tpu.memref_slice %arg3[%dma_start3A_9, %dma_start3A_10] : memref<100000x128xf32, #tpu.memory_space<hbm>> -> memref<100000x128xf32, #tpu.memory_space<hbm>>
    tpu.enqueue_indirect_dma source(%dma_start3A_11 : memref<100000x128xf32, #tpu.memory_space<hbm>>) target(%dma_start3A_6 : memref<128x128xf32, #tpu.memory_space<vmem>>) offsets(%dma_start3A_8 : memref<128xi32, #tpu.memory_space<vmem>>) semaphore(%arg7 : memref<!tpu.dma_semaphore, #tpu.memory_space<semaphore_mem>>)
    %dma_start3A_12 = arith.constant 1 : i32
    %dma_start3A_13 = arith.constant 0 : i32
    %dma_start3A_14 = arith.constant 0 : i32
    %dma_start3A_15 = tpu.memref_slice %arg6[%dma_start3A_12, %dma_start3A_13, %dma_start3A_14] : memref<5x128x128xf32, #tpu.memory_space<vmem>> -> memref<1x128x128xf32, #tpu.memory_space<vmem>>
    %dma_start3A_16 = tpu.memref_squeeze %dma_start3A_15 : memref<1x128x128xf32, #tpu.memory_space<vmem>> -> memref<128x128xf32, #tpu.memory_space<vmem>>
    %dma_start3A_17 = arith.constant 128 : i32
    %dma_start3A_18 = tpu.memref_slice %arg5[%dma_start3A_17] : memref<6400xi32, #tpu.memory_space<vmem>> -> memref<128xi32, #tpu.memory_space<vmem>>
    %dma_start3A_19 = arith.constant 0 : i32
    %dma_start3A_20 = arith.constant 0 : i32
    %dma_start3A_21 = tpu.memref_slice %arg3[%dma_start3A_19, %dma_start3A_20] : memref<100000x128xf32, #tpu.memory_space<hbm>> -> memref<100000x128xf32, #tpu.memory_space<hbm>>
    tpu.enqueue_indirect_dma source(%dma_start3A_21 : memref<100000x128xf32, #tpu.memory_space<hbm>>) target(%dma_start3A_16 : memref<128x128xf32, #tpu.memory_space<vmem>>) offsets(%dma_start3A_18 : memref<128xi32, #tpu.memory_space<vmem>>) semaphore(%arg8 : memref<!tpu.dma_semaphore, #tpu.memory_space<semaphore_mem>>)
    %dma_start3A_22 = arith.constant 2 : i32
    %dma_start3A_23 = arith.constant 0 : i32
    %dma_start3A_24 = arith.constant 0 : i32
    %dma_start3A_25 = tpu.memref_slice %arg6[%dma_start3A_22, %dma_start3A_23, %dma_start3A_24] : memref<5x128x128xf32, #tpu.memory_space<vmem>> -> memref<1x128x128xf32, #tpu.memory_space<vmem>>
    %dma_start3A_26 = tpu.memref_squeeze %dma_start3A_25 : memref<1x128x128xf32, #tpu.memory_space<vmem>> -> memref<128x128xf32, #tpu.memory_space<vmem>>
    %dma_start3A_27 = arith.constant 256 : i32
    %dma_start3A_28 = tpu.memref_slice %arg5[%dma_start3A_27] : memref<6400xi32, #tpu.memory_space<vmem>> -> memref<128xi32, #tpu.memory_space<vmem>>
    %dma_start3A_29 = arith.constant 0 : i32
    %dma_start3A_30 = arith.constant 0 : i32
    %dma_start3A_31 = tpu.memref_slice %arg3[%dma_start3A_29, %dma_start3A_30] : memref<100000x128xf32, #tpu.memory_space<hbm>> -> memref<100000x128xf32, #tpu.memory_space<hbm>>
    tpu.enqueue_indirect_dma source(%dma_start3A_31 : memref<100000x128xf32, #tpu.memory_space<hbm>>) target(%dma_start3A_26 : memref<128x128xf32, #tpu.memory_space<vmem>>) offsets(%dma_start3A_28 : memref<128xi32, #tpu.memory_space<vmem>>) semaphore(%arg9 : memref<!tpu.dma_semaphore, #tpu.memory_space<semaphore_mem>>)
    %dma_start3A_32 = arith.constant 3 : i32
    %dma_start3A_33 = arith.constant 0 : i32
    %dma_start3A_34 = arith.constant 0 : i32
    %dma_start3A_35 = tpu.memref_slice %arg6[%dma_start3A_32, %dma_start3A_33, %dma_start3A_34] : memref<5x128x128xf32, #tpu.memory_space<vmem>> -> memref<1x128x128xf32, #tpu.memory_space<vmem>>
    %dma_start3A_36 = tpu.memref_squeeze %dma_start3A_35 : memref<1x128x128xf32, #tpu.memory_space<vmem>> -> memref<128x128xf32, #tpu.memory_space<vmem>>
    %dma_start3A_37 = arith.constant 384 : i32
    %dma_start3A_38 = tpu.memref_slice %arg5[%dma_start3A_37] : memref<6400xi32, #tpu.memory_space<vmem>> -> memref<128xi32, #tpu.memory_space<vmem>>
    %dma_start3A_39 = arith.constant 0 : i32
    %dma_start3A_40 = arith.constant 0 : i32
    %dma_start3A_41 = tpu.memref_slice %arg3[%dma_start3A_39, %dma_start3A_40] : memref<100000x128xf32, #tpu.memory_space<hbm>> -> memref<100000x128xf32, #tpu.memory_space<hbm>>
    tpu.enqueue_indirect_dma source(%dma_start3A_41 : memref<100000x128xf32, #tpu.memory_space<hbm>>) target(%dma_start3A_36 : memref<128x128xf32, #tpu.memory_space<vmem>>) offsets(%dma_start3A_38 : memref<128xi32, #tpu.memory_space<vmem>>) semaphore(%arg10 : memref<!tpu.dma_semaphore, #tpu.memory_space<semaphore_mem>>)
    %scan3A = arith.constant 0 : i32
    %scan3A_42 = arith.constant 0 : i32
    %scan3A_43 = arith.constant 10 : i32
    %scan3A_44 = arith.addi %scan3A_42, %scan3A_43 : i32
    %scan3A_45 = arith.constant 1 : i32
    %scan3A_46 = scf.for %scan3A_122 = %scan3A_42 to %scan3A_44 step %scan3A_45 iter_args(%scan3A_123 = %scan3A) -> (i32)  : i32 {
      %mul3A_124 = arith.constant 5 : i32
      %mul3A_125 = arith.muli %scan3A_122, %mul3A_124 : i32
      %add3A_126 = arith.constant 0 : i32
      %add3A_127 = arith.addi %mul3A_125, %add3A_126 : i32
      %dma_wait3A_128 = arith.constant 0 : i32
      %dma_wait3A_129 = arith.constant 0 : i32
      %dma_wait3A_130 = arith.constant 0 : i32
      %dma_wait3A_131 = tpu.memref_slice %arg6[%dma_wait3A_128, %dma_wait3A_129, %dma_wait3A_130] : memref<5x128x128xf32, #tpu.memory_space<vmem>> -> memref<1x128x128xf32, #tpu.memory_space<vmem>>
      %dma_wait3A_132 = tpu.memref_squeeze %dma_wait3A_131 : memref<1x128x128xf32, #tpu.memory_space<vmem>> -> memref<128x128xf32, #tpu.memory_space<vmem>>
      %dma_wait3A_133 = arith.constant 0 : i32
      %dma_wait3A_134 = arith.constant 0 : i32
      %dma_wait3A_135 = tpu.memref_slice %arg3[%dma_wait3A_133, %dma_wait3A_134] : memref<100000x128xf32, #tpu.memory_space<hbm>> -> memref<128x128xf32, #tpu.memory_space<hbm>>
      %dma_wait3A_136 = arith.constant 0 : i32
      %dma_wait3A_137 = arith.constant 0 : i32
      %dma_wait3A_138 = tpu.memref_slice %arg6[%dma_wait3A_128, %dma_wait3A_136, %dma_wait3A_137] : memref<5x128x128xf32, #tpu.memory_space<vmem>> -> memref<1x128x128xf32, #tpu.memory_space<vmem>>
      %dma_wait3A_139 = tpu.memref_squeeze %dma_wait3A_138 : memref<1x128x128xf32, #tpu.memory_space<vmem>> -> memref<128x128xf32, #tpu.memory_space<vmem>>
      %dma_wait3A_140 = arith.constant 0 : i32
      %dma_wait3A_141 = arith.constant 0 : i32
      %dma_wait3A_142 = tpu.memref_slice %arg3[%dma_wait3A_140, %dma_wait3A_141] : memref<100000x128xf32, #tpu.memory_space<hbm>> -> memref<128x128xf32, #tpu.memory_space<hbm>>
      tpu.wait_dma2 semaphore(%arg7 : memref<!tpu.dma_semaphore, #tpu.memory_space<semaphore_mem>>) src(%dma_wait3A_142 : memref<128x128xf32, #tpu.memory_space<hbm>>) dst(%dma_wait3A_139 : memref<128x128xf32, #tpu.memory_space<vmem>>)
      %mul3A_143 = arith.constant 128 : i32
      %mul3A_144 = arith.muli %add3A_127, %mul3A_143 : i32
      %add3A_145 = arith.addi %mul3A_2, %mul3A_144 : i32
      %dma_start3A_146 = arith.constant 0 : i32
      %dma_start3A_147 = arith.constant 0 : i32
      %dma_start3A_148 = arith.constant 0 : i32
      %dma_start3A_149 = tpu.memref_slice %arg6[%dma_start3A_146, %dma_start3A_147, %dma_start3A_148] : memref<5x128x128xf32, #tpu.memory_space<vmem>> -> memref<1x128x128xf32, #tpu.memory_space<vmem>>
      %dma_start3A_150 = tpu.memref_squeeze %dma_start3A_149 : memref<1x128x128xf32, #tpu.memory_space<vmem>> -> memref<128x128xf32, #tpu.memory_space<vmem>>
      %dma_start3A_151 = arith.constant 0 : i32
      %dma_start3A_152 = tpu.memref_slice %arg4[%add3A_145, %dma_start3A_151] : memref<204800x128xf32, #tpu.memory_space<hbm>> -> memref<128x128xf32, #tpu.memory_space<hbm>>
      %dma_start3A_153 = arith.constant 0 : i32
      %dma_start3A_154 = tpu.memref_slice %arg4[%add3A_145, %dma_start3A_153] : memref<204800x128xf32, #tpu.memory_space<hbm>> -> memref<128x128xf32, #tpu.memory_space<hbm>>
      %dma_start3A_155 = arith.constant 0 : i32
      %dma_start3A_156 = arith.constant 0 : i32
      %dma_start3A_157 = tpu.memref_slice %arg6[%dma_start3A_146, %dma_start3A_155, %dma_start3A_156] : memref<5x128x128xf32, #tpu.memory_space<vmem>> -> memref<1x128x128xf32, #tpu.memory_space<vmem>>
      %dma_start3A_158 = tpu.memref_squeeze %dma_start3A_157 : memref<1x128x128xf32, #tpu.memory_space<vmem>> -> memref<128x128xf32, #tpu.memory_space<vmem>>
      tpu.enqueue_dma source(%dma_start3A_158 : memref<128x128xf32, #tpu.memory_space<vmem>>) target(%dma_start3A_154 : memref<128x128xf32, #tpu.memory_space<hbm>>) target_semaphore(%arg12 : memref<!tpu.dma_semaphore, #tpu.memory_space<semaphore_mem>>)
      %add3A_159 = arith.constant 4 : i32
      %add3A_160 = arith.addi %add3A_127, %add3A_159 : i32
      %lt3A = arith.constant 50 : i32
      %lt3A_161 = arith.cmpi slt, %add3A_160, %lt3A : i32
      %convert_element_type3A = arith.extui %lt3A_161 : i1 to i32
      %cond3A = arith.constant 0 : i32
      %cond3A_162 = arith.cmpi ne, %convert_element_type3A, %cond3A : i32
      scf.if %cond3A_162 {
        %add3A_332 = arith.constant 4 : i32
        %add3A_333 = arith.addi %add3A_127, %add3A_332 : i32
        %ge3A = arith.constant 5 : i32
        %ge3A_334 = arith.cmpi sge, %add3A_333, %ge3A : i32
        %convert_element_type3A_335 = arith.extui %ge3A_334 : i1 to i32
        %cond3A_336 = arith.constant 0 : i32
        %cond3A_337 = arith.cmpi ne, %convert_element_type3A_335, %cond3A_336 : i32
        scf.if %cond3A_337 {
          %dma_wait3A_351 = arith.constant 4 : i32
          %dma_wait3A_352 = arith.constant 0 : i32
          %dma_wait3A_353 = arith.constant 0 : i32
          %dma_wait3A_354 = tpu.memref_slice %arg6[%dma_wait3A_351, %dma_wait3A_352, %dma_wait3A_353] : memref<5x128x128xf32, #tpu.memory_space<vmem>> -> memref<1x128x128xf32, #tpu.memory_space<vmem>>
          %dma_wait3A_355 = tpu.memref_squeeze %dma_wait3A_354 : memref<1x128x128xf32, #tpu.memory_space<vmem>> -> memref<128x128xf32, #tpu.memory_space<vmem>>
          %dma_wait3A_356 = arith.constant 0 : i32
          %dma_wait3A_357 = arith.constant 0 : i32
          %dma_wait3A_358 = tpu.memref_slice %arg3[%dma_wait3A_356, %dma_wait3A_357] : memref<100000x128xf32, #tpu.memory_space<hbm>> -> memref<128x128xf32, #tpu.memory_space<hbm>>
          %dma_wait3A_359 = arith.constant 0 : i32
          %dma_wait3A_360 = arith.constant 0 : i32
          %dma_wait3A_361 = tpu.memref_slice %arg6[%dma_wait3A_351, %dma_wait3A_359, %dma_wait3A_360] : memref<5x128x128xf32, #tpu.memory_space<vmem>> -> memref<1x128x128xf32, #tpu.memory_space<vmem>>
          %dma_wait3A_362 = tpu.memref_squeeze %dma_wait3A_361 : memref<1x128x128xf32, #tpu.memory_space<vmem>> -> memref<128x128xf32, #tpu.memory_space<vmem>>
          %dma_wait3A_363 = arith.constant 0 : i32
          %dma_wait3A_364 = arith.constant 0 : i32
          %dma_wait3A_365 = tpu.memref_slice %arg3[%dma_wait3A_363, %dma_wait3A_364] : memref<100000x128xf32, #tpu.memory_space<hbm>> -> memref<128x128xf32, #tpu.memory_space<hbm>>
          tpu.wait_dma2 semaphore(%arg16 : memref<!tpu.dma_semaphore, #tpu.memory_space<semaphore_mem>>) src(%dma_wait3A_365 : memref<128x128xf32, #tpu.memory_space<hbm>>) dst(%dma_wait3A_362 : memref<128x128xf32, #tpu.memory_space<vmem>>)
        } else {
        }
        %add3A_338 = arith.constant 4 : i32
        %add3A_339 = arith.addi %add3A_127, %add3A_338 : i32
        %mul3A_340 = arith.constant 128 : i32
        %mul3A_341 = arith.muli %add3A_339, %mul3A_340 : i32
        %dma_start3A_342 = arith.constant 4 : i32
        %dma_start3A_343 = arith.constant 0 : i32
        %dma_start3A_344 = arith.constant 0 : i32
        %dma_start3A_345 = tpu.memref_slice %arg6[%dma_start3A_342, %dma_start3A_343, %dma_start3A_344] : memref<5x128x128xf32, #tpu.memory_space<vmem>> -> memref<1x128x128xf32, #tpu.memory_space<vmem>>
        %dma_start3A_346 = tpu.memref_squeeze %dma_start3A_345 : memref<1x128x128xf32, #tpu.memory_space<vmem>> -> memref<128x128xf32, #tpu.memory_space<vmem>>
        %dma_start3A_347 = tpu.memref_slice %arg5[%mul3A_341] : memref<6400xi32, #tpu.memory_space<vmem>> -> memref<128xi32, #tpu.memory_space<vmem>>
        %dma_start3A_348 = arith.constant 0 : i32
        %dma_start3A_349 = arith.constant 0 : i32
        %dma_start3A_350 = tpu.memref_slice %arg3[%dma_start3A_348, %dma_start3A_349] : memref<100000x128xf32, #tpu.memory_space<hbm>> -> memref<100000x128xf32, #tpu.memory_space<hbm>>
        tpu.enqueue_indirect_dma source(%dma_start3A_350 : memref<100000x128xf32, #tpu.memory_space<hbm>>) target(%dma_start3A_346 : memref<128x128xf32, #tpu.memory_space<vmem>>) offsets(%dma_start3A_347 : memref<128xi32, #tpu.memory_space<vmem>>) semaphore(%arg11 : memref<!tpu.dma_semaphore, #tpu.memory_space<semaphore_mem>>)
      } else {
      }
      %mul3A_163 = arith.constant 5 : i32
      %mul3A_164 = arith.muli %scan3A_122, %mul3A_163 : i32
      %add3A_165 = arith.constant 1 : i32
      %add3A_166 = arith.addi %mul3A_164, %add3A_165 : i32
      %dma_wait3A_167 = arith.constant 1 : i32
      %dma_wait3A_168 = arith.constant 0 : i32
      %dma_wait3A_169 = arith.constant 0 : i32
      %dma_wait3A_170 = tpu.memref_slice %arg6[%dma_wait3A_167, %dma_wait3A_168, %dma_wait3A_169] : memref<5x128x128xf32, #tpu.memory_space<vmem>> -> memref<1x128x128xf32, #tpu.memory_space<vmem>>
      %dma_wait3A_171 = tpu.memref_squeeze %dma_wait3A_170 : memref<1x128x128xf32, #tpu.memory_space<vmem>> -> memref<128x128xf32, #tpu.memory_space<vmem>>
      %dma_wait3A_172 = arith.constant 0 : i32
      %dma_wait3A_173 = arith.constant 0 : i32
      %dma_wait3A_174 = tpu.memref_slice %arg3[%dma_wait3A_172, %dma_wait3A_173] : memref<100000x128xf32, #tpu.memory_space<hbm>> -> memref<128x128xf32, #tpu.memory_space<hbm>>
      %dma_wait3A_175 = arith.constant 0 : i32
      %dma_wait3A_176 = arith.constant 0 : i32
      %dma_wait3A_177 = tpu.memref_slice %arg6[%dma_wait3A_167, %dma_wait3A_175, %dma_wait3A_176] : memref<5x128x128xf32, #tpu.memory_space<vmem>> -> memref<1x128x128xf32, #tpu.memory_space<vmem>>
      %dma_wait3A_178 = tpu.memref_squeeze %dma_wait3A_177 : memref<1x128x128xf32, #tpu.memory_space<vmem>> -> memref<128x128xf32, #tpu.memory_space<vmem>>
      %dma_wait3A_179 = arith.constant 0 : i32
      %dma_wait3A_180 = arith.constant 0 : i32
      %dma_wait3A_181 = tpu.memref_slice %arg3[%dma_wait3A_179, %dma_wait3A_180] : memref<100000x128xf32, #tpu.memory_space<hbm>> -> memref<128x128xf32, #tpu.memory_space<hbm>>
      tpu.wait_dma2 semaphore(%arg8 : memref<!tpu.dma_semaphore, #tpu.memory_space<semaphore_mem>>) src(%dma_wait3A_181 : memref<128x128xf32, #tpu.memory_space<hbm>>) dst(%dma_wait3A_178 : memref<128x128xf32, #tpu.memory_space<vmem>>)
      %mul3A_182 = arith.constant 128 : i32
      %mul3A_183 = arith.muli %add3A_166, %mul3A_182 : i32
      %add3A_184 = arith.addi %mul3A_2, %mul3A_183 : i32
      %dma_start3A_185 = arith.constant 1 : i32
      %dma_start3A_186 = arith.constant 0 : i32
      %dma_start3A_187 = arith.constant 0 : i32
      %dma_start3A_188 = tpu.memref_slice %arg6[%dma_start3A_185, %dma_start3A_186, %dma_start3A_187] : memref<5x128x128xf32, #tpu.memory_space<vmem>> -> memref<1x128x128xf32, #tpu.memory_space<vmem>>
      %dma_start3A_189 = tpu.memref_squeeze %dma_start3A_188 : memref<1x128x128xf32, #tpu.memory_space<vmem>> -> memref<128x128xf32, #tpu.memory_space<vmem>>
      %dma_start3A_190 = arith.constant 0 : i32
      %dma_start3A_191 = tpu.memref_slice %arg4[%add3A_184, %dma_start3A_190] : memref<204800x128xf32, #tpu.memory_space<hbm>> -> memref<128x128xf32, #tpu.memory_space<hbm>>
      %dma_start3A_192 = arith.constant 0 : i32
      %dma_start3A_193 = tpu.memref_slice %arg4[%add3A_184, %dma_start3A_192] : memref<204800x128xf32, #tpu.memory_space<hbm>> -> memref<128x128xf32, #tpu.memory_space<hbm>>
      %dma_start3A_194 = arith.constant 0 : i32
      %dma_start3A_195 = arith.constant 0 : i32
      %dma_start3A_196 = tpu.memref_slice %arg6[%dma_start3A_185, %dma_start3A_194, %dma_start3A_195] : memref<5x128x128xf32, #tpu.memory_space<vmem>> -> memref<1x128x128xf32, #tpu.memory_space<vmem>>
      %dma_start3A_197 = tpu.memref_squeeze %dma_start3A_196 : memref<1x128x128xf32, #tpu.memory_space<vmem>> -> memref<128x128xf32, #tpu.memory_space<vmem>>
      tpu.enqueue_dma source(%dma_start3A_197 : memref<128x128xf32, #tpu.memory_space<vmem>>) target(%dma_start3A_193 : memref<128x128xf32, #tpu.memory_space<hbm>>) target_semaphore(%arg13 : memref<!tpu.dma_semaphore, #tpu.memory_space<semaphore_mem>>)
      %add3A_198 = arith.constant 4 : i32
      %add3A_199 = arith.addi %add3A_166, %add3A_198 : i32
      %lt3A_200 = arith.constant 50 : i32
      %lt3A_201 = arith.cmpi slt, %add3A_199, %lt3A_200 : i32
      %convert_element_type3A_202 = arith.extui %lt3A_201 : i1 to i32
      %cond3A_203 = arith.constant 0 : i32
      %cond3A_204 = arith.cmpi ne, %convert_element_type3A_202, %cond3A_203 : i32
      scf.if %cond3A_204 {
        %add3A_332 = arith.constant 4 : i32
        %add3A_333 = arith.addi %add3A_166, %add3A_332 : i32
        %ge3A = arith.constant 5 : i32
        %ge3A_334 = arith.cmpi sge, %add3A_333, %ge3A : i32
        %convert_element_type3A_335 = arith.extui %ge3A_334 : i1 to i32
        %cond3A_336 = arith.constant 0 : i32
        %cond3A_337 = arith.cmpi ne, %convert_element_type3A_335, %cond3A_336 : i32
        scf.if %cond3A_337 {
          %dma_wait3A_351 = arith.constant 0 : i32
          %dma_wait3A_352 = arith.constant 0 : i32
          %dma_wait3A_353 = arith.constant 0 : i32
          %dma_wait3A_354 = tpu.memref_slice %arg6[%dma_wait3A_351, %dma_wait3A_352, %dma_wait3A_353] : memref<5x128x128xf32, #tpu.memory_space<vmem>> -> memref<1x128x128xf32, #tpu.memory_space<vmem>>
          %dma_wait3A_355 = tpu.memref_squeeze %dma_wait3A_354 : memref<1x128x128xf32, #tpu.memory_space<vmem>> -> memref<128x128xf32, #tpu.memory_space<vmem>>
          %dma_wait3A_356 = arith.constant 0 : i32
          %dma_wait3A_357 = arith.constant 0 : i32
          %dma_wait3A_358 = tpu.memref_slice %arg3[%dma_wait3A_356, %dma_wait3A_357] : memref<100000x128xf32, #tpu.memory_space<hbm>> -> memref<128x128xf32, #tpu.memory_space<hbm>>
          %dma_wait3A_359 = arith.constant 0 : i32
          %dma_wait3A_360 = arith.constant 0 : i32
          %dma_wait3A_361 = tpu.memref_slice %arg6[%dma_wait3A_351, %dma_wait3A_359, %dma_wait3A_360] : memref<5x128x128xf32, #tpu.memory_space<vmem>> -> memref<1x128x128xf32, #tpu.memory_space<vmem>>
          %dma_wait3A_362 = tpu.memref_squeeze %dma_wait3A_361 : memref<1x128x128xf32, #tpu.memory_space<vmem>> -> memref<128x128xf32, #tpu.memory_space<vmem>>
          %dma_wait3A_363 = arith.constant 0 : i32
          %dma_wait3A_364 = arith.constant 0 : i32
          %dma_wait3A_365 = tpu.memref_slice %arg3[%dma_wait3A_363, %dma_wait3A_364] : memref<100000x128xf32, #tpu.memory_space<hbm>> -> memref<128x128xf32, #tpu.memory_space<hbm>>
          tpu.wait_dma2 semaphore(%arg12 : memref<!tpu.dma_semaphore, #tpu.memory_space<semaphore_mem>>) src(%dma_wait3A_365 : memref<128x128xf32, #tpu.memory_space<hbm>>) dst(%dma_wait3A_362 : memref<128x128xf32, #tpu.memory_space<vmem>>)
        } else {
        }
        %add3A_338 = arith.constant 4 : i32
        %add3A_339 = arith.addi %add3A_166, %add3A_338 : i32
        %mul3A_340 = arith.constant 128 : i32
        %mul3A_341 = arith.muli %add3A_339, %mul3A_340 : i32
        %dma_start3A_342 = arith.constant 0 : i32
        %dma_start3A_343 = arith.constant 0 : i32
        %dma_start3A_344 = arith.constant 0 : i32
        %dma_start3A_345 = tpu.memref_slice %arg6[%dma_start3A_342, %dma_start3A_343, %dma_start3A_344] : memref<5x128x128xf32, #tpu.memory_space<vmem>> -> memref<1x128x128xf32, #tpu.memory_space<vmem>>
        %dma_start3A_346 = tpu.memref_squeeze %dma_start3A_345 : memref<1x128x128xf32, #tpu.memory_space<vmem>> -> memref<128x128xf32, #tpu.memory_space<vmem>>
        %dma_start3A_347 = tpu.memref_slice %arg5[%mul3A_341] : memref<6400xi32, #tpu.memory_space<vmem>> -> memref<128xi32, #tpu.memory_space<vmem>>
        %dma_start3A_348 = arith.constant 0 : i32
        %dma_start3A_349 = arith.constant 0 : i32
        %dma_start3A_350 = tpu.memref_slice %arg3[%dma_start3A_348, %dma_start3A_349] : memref<100000x128xf32, #tpu.memory_space<hbm>> -> memref<100000x128xf32, #tpu.memory_space<hbm>>
        tpu.enqueue_indirect_dma source(%dma_start3A_350 : memref<100000x128xf32, #tpu.memory_space<hbm>>) target(%dma_start3A_346 : memref<128x128xf32, #tpu.memory_space<vmem>>) offsets(%dma_start3A_347 : memref<128xi32, #tpu.memory_space<vmem>>) semaphore(%arg7 : memref<!tpu.dma_semaphore, #tpu.memory_space<semaphore_mem>>)
      } else {
      }
      %mul3A_205 = arith.constant 5 : i32
      %mul3A_206 = arith.muli %scan3A_122, %mul3A_205 : i32
      %add3A_207 = arith.constant 2 : i32
      %add3A_208 = arith.addi %mul3A_206, %add3A_207 : i32
      %dma_wait3A_209 = arith.constant 2 : i32
      %dma_wait3A_210 = arith.constant 0 : i32
      %dma_wait3A_211 = arith.constant 0 : i32
      %dma_wait3A_212 = tpu.memref_slice %arg6[%dma_wait3A_209, %dma_wait3A_210, %dma_wait3A_211] : memref<5x128x128xf32, #tpu.memory_space<vmem>> -> memref<1x128x128xf32, #tpu.memory_space<vmem>>
      %dma_wait3A_213 = tpu.memref_squeeze %dma_wait3A_212 : memref<1x128x128xf32, #tpu.memory_space<vmem>> -> memref<128x128xf32, #tpu.memory_space<vmem>>
      %dma_wait3A_214 = arith.constant 0 : i32
      %dma_wait3A_215 = arith.constant 0 : i32
      %dma_wait3A_216 = tpu.memref_slice %arg3[%dma_wait3A_214, %dma_wait3A_215] : memref<100000x128xf32, #tpu.memory_space<hbm>> -> memref<128x128xf32, #tpu.memory_space<hbm>>
      %dma_wait3A_217 = arith.constant 0 : i32
      %dma_wait3A_218 = arith.constant 0 : i32
      %dma_wait3A_219 = tpu.memref_slice %arg6[%dma_wait3A_209, %dma_wait3A_217, %dma_wait3A_218] : memref<5x128x128xf32, #tpu.memory_space<vmem>> -> memref<1x128x128xf32, #tpu.memory_space<vmem>>
      %dma_wait3A_220 = tpu.memref_squeeze %dma_wait3A_219 : memref<1x128x128xf32, #tpu.memory_space<vmem>> -> memref<128x128xf32, #tpu.memory_space<vmem>>
      %dma_wait3A_221 = arith.constant 0 : i32
      %dma_wait3A_222 = arith.constant 0 : i32
      %dma_wait3A_223 = tpu.memref_slice %arg3[%dma_wait3A_221, %dma_wait3A_222] : memref<100000x128xf32, #tpu.memory_space<hbm>> -> memref<128x128xf32, #tpu.memory_space<hbm>>
      tpu.wait_dma2 semaphore(%arg9 : memref<!tpu.dma_semaphore, #tpu.memory_space<semaphore_mem>>) src(%dma_wait3A_223 : memref<128x128xf32, #tpu.memory_space<hbm>>) dst(%dma_wait3A_220 : memref<128x128xf32, #tpu.memory_space<vmem>>)
      %mul3A_224 = arith.constant 128 : i32
      %mul3A_225 = arith.muli %add3A_208, %mul3A_224 : i32
      %add3A_226 = arith.addi %mul3A_2, %mul3A_225 : i32
      %dma_start3A_227 = arith.constant 2 : i32
      %dma_start3A_228 = arith.constant 0 : i32
      %dma_start3A_229 = arith.constant 0 : i32
      %dma_start3A_230 = tpu.memref_slice %arg6[%dma_start3A_227, %dma_start3A_228, %dma_start3A_229] : memref<5x128x128xf32, #tpu.memory_space<vmem>> -> memref<1x128x128xf32, #tpu.memory_space<vmem>>
      %dma_start3A_231 = tpu.memref_squeeze %dma_start3A_230 : memref<1x128x128xf32, #tpu.memory_space<vmem>> -> memref<128x128xf32, #tpu.memory_space<vmem>>
      %dma_start3A_232 = arith.constant 0 : i32
      %dma_start3A_233 = tpu.memref_slice %arg4[%add3A_226, %dma_start3A_232] : memref<204800x128xf32, #tpu.memory_space<hbm>> -> memref<128x128xf32, #tpu.memory_space<hbm>>
      %dma_start3A_234 = arith.constant 0 : i32
      %dma_start3A_235 = tpu.memref_slice %arg4[%add3A_226, %dma_start3A_234] : memref<204800x128xf32, #tpu.memory_space<hbm>> -> memref<128x128xf32, #tpu.memory_space<hbm>>
      %dma_start3A_236 = arith.constant 0 : i32
      %dma_start3A_237 = arith.constant 0 : i32
      %dma_start3A_238 = tpu.memref_slice %arg6[%dma_start3A_227, %dma_start3A_236, %dma_start3A_237] : memref<5x128x128xf32, #tpu.memory_space<vmem>> -> memref<1x128x128xf32, #tpu.memory_space<vmem>>
      %dma_start3A_239 = tpu.memref_squeeze %dma_start3A_238 : memref<1x128x128xf32, #tpu.memory_space<vmem>> -> memref<128x128xf32, #tpu.memory_space<vmem>>
      tpu.enqueue_dma source(%dma_start3A_239 : memref<128x128xf32, #tpu.memory_space<vmem>>) target(%dma_start3A_235 : memref<128x128xf32, #tpu.memory_space<hbm>>) target_semaphore(%arg14 : memref<!tpu.dma_semaphore, #tpu.memory_space<semaphore_mem>>)
      %add3A_240 = arith.constant 4 : i32
      %add3A_241 = arith.addi %add3A_208, %add3A_240 : i32
      %lt3A_242 = arith.constant 50 : i32
      %lt3A_243 = arith.cmpi slt, %add3A_241, %lt3A_242 : i32
      %convert_element_type3A_244 = arith.extui %lt3A_243 : i1 to i32
      %cond3A_245 = arith.constant 0 : i32
      %cond3A_246 = arith.cmpi ne, %convert_element_type3A_244, %cond3A_245 : i32
      scf.if %cond3A_246 {
        %add3A_332 = arith.constant 4 : i32
        %add3A_333 = arith.addi %add3A_208, %add3A_332 : i32
        %ge3A = arith.constant 5 : i32
        %ge3A_334 = arith.cmpi sge, %add3A_333, %ge3A : i32
        %convert_element_type3A_335 = arith.extui %ge3A_334 : i1 to i32
        %cond3A_336 = arith.constant 0 : i32
        %cond3A_337 = arith.cmpi ne, %convert_element_type3A_335, %cond3A_336 : i32
        scf.if %cond3A_337 {
          %dma_wait3A_351 = arith.constant 1 : i32
          %dma_wait3A_352 = arith.constant 0 : i32
          %dma_wait3A_353 = arith.constant 0 : i32
          %dma_wait3A_354 = tpu.memref_slice %arg6[%dma_wait3A_351, %dma_wait3A_352, %dma_wait3A_353] : memref<5x128x128xf32, #tpu.memory_space<vmem>> -> memref<1x128x128xf32, #tpu.memory_space<vmem>>
          %dma_wait3A_355 = tpu.memref_squeeze %dma_wait3A_354 : memref<1x128x128xf32, #tpu.memory_space<vmem>> -> memref<128x128xf32, #tpu.memory_space<vmem>>
          %dma_wait3A_356 = arith.constant 0 : i32
          %dma_wait3A_357 = arith.constant 0 : i32
          %dma_wait3A_358 = tpu.memref_slice %arg3[%dma_wait3A_356, %dma_wait3A_357] : memref<100000x128xf32, #tpu.memory_space<hbm>> -> memref<128x128xf32, #tpu.memory_space<hbm>>
          %dma_wait3A_359 = arith.constant 0 : i32
          %dma_wait3A_360 = arith.constant 0 : i32
          %dma_wait3A_361 = tpu.memref_slice %arg6[%dma_wait3A_351, %dma_wait3A_359, %dma_wait3A_360] : memref<5x128x128xf32, #tpu.memory_space<vmem>> -> memref<1x128x128xf32, #tpu.memory_space<vmem>>
          %dma_wait3A_362 = tpu.memref_squeeze %dma_wait3A_361 : memref<1x128x128xf32, #tpu.memory_space<vmem>> -> memref<128x128xf32, #tpu.memory_space<vmem>>
          %dma_wait3A_363 = arith.constant 0 : i32
          %dma_wait3A_364 = arith.constant 0 : i32
          %dma_wait3A_365 = tpu.memref_slice %arg3[%dma_wait3A_363, %dma_wait3A_364] : memref<100000x128xf32, #tpu.memory_space<hbm>> -> memref<128x128xf32, #tpu.memory_space<hbm>>
          tpu.wait_dma2 semaphore(%arg13 : memref<!tpu.dma_semaphore, #tpu.memory_space<semaphore_mem>>) src(%dma_wait3A_365 : memref<128x128xf32, #tpu.memory_space<hbm>>) dst(%dma_wait3A_362 : memref<128x128xf32, #tpu.memory_space<vmem>>)
        } else {
        }
        %add3A_338 = arith.constant 4 : i32
        %add3A_339 = arith.addi %add3A_208, %add3A_338 : i32
        %mul3A_340 = arith.constant 128 : i32
        %mul3A_341 = arith.muli %add3A_339, %mul3A_340 : i32
        %dma_start3A_342 = arith.constant 1 : i32
        %dma_start3A_343 = arith.constant 0 : i32
        %dma_start3A_344 = arith.constant 0 : i32
        %dma_start3A_345 = tpu.memref_slice %arg6[%dma_start3A_342, %dma_start3A_343, %dma_start3A_344] : memref<5x128x128xf32, #tpu.memory_space<vmem>> -> memref<1x128x128xf32, #tpu.memory_space<vmem>>
        %dma_start3A_346 = tpu.memref_squeeze %dma_start3A_345 : memref<1x128x128xf32, #tpu.memory_space<vmem>> -> memref<128x128xf32, #tpu.memory_space<vmem>>
        %dma_start3A_347 = tpu.memref_slice %arg5[%mul3A_341] : memref<6400xi32, #tpu.memory_space<vmem>> -> memref<128xi32, #tpu.memory_space<vmem>>
        %dma_start3A_348 = arith.constant 0 : i32
        %dma_start3A_349 = arith.constant 0 : i32
        %dma_start3A_350 = tpu.memref_slice %arg3[%dma_start3A_348, %dma_start3A_349] : memref<100000x128xf32, #tpu.memory_space<hbm>> -> memref<100000x128xf32, #tpu.memory_space<hbm>>
        tpu.enqueue_indirect_dma source(%dma_start3A_350 : memref<100000x128xf32, #tpu.memory_space<hbm>>) target(%dma_start3A_346 : memref<128x128xf32, #tpu.memory_space<vmem>>) offsets(%dma_start3A_347 : memref<128xi32, #tpu.memory_space<vmem>>) semaphore(%arg8 : memref<!tpu.dma_semaphore, #tpu.memory_space<semaphore_mem>>)
      } else {
      }
      %mul3A_247 = arith.constant 5 : i32
      %mul3A_248 = arith.muli %scan3A_122, %mul3A_247 : i32
      %add3A_249 = arith.constant 3 : i32
      %add3A_250 = arith.addi %mul3A_248, %add3A_249 : i32
      %dma_wait3A_251 = arith.constant 3 : i32
      %dma_wait3A_252 = arith.constant 0 : i32
      %dma_wait3A_253 = arith.constant 0 : i32
      %dma_wait3A_254 = tpu.memref_slice %arg6[%dma_wait3A_251, %dma_wait3A_252, %dma_wait3A_253] : memref<5x128x128xf32, #tpu.memory_space<vmem>> -> memref<1x128x128xf32, #tpu.memory_space<vmem>>
      %dma_wait3A_255 = tpu.memref_squeeze %dma_wait3A_254 : memref<1x128x128xf32, #tpu.memory_space<vmem>> -> memref<128x128xf32, #tpu.memory_space<vmem>>
      %dma_wait3A_256 = arith.constant 0 : i32
      %dma_wait3A_257 = arith.constant 0 : i32
      %dma_wait3A_258 = tpu.memref_slice %arg3[%dma_wait3A_256, %dma_wait3A_257] : memref<100000x128xf32, #tpu.memory_space<hbm>> -> memref<128x128xf32, #tpu.memory_space<hbm>>
      %dma_wait3A_259 = arith.constant 0 : i32
      %dma_wait3A_260 = arith.constant 0 : i32
      %dma_wait3A_261 = tpu.memref_slice %arg6[%dma_wait3A_251, %dma_wait3A_259, %dma_wait3A_260] : memref<5x128x128xf32, #tpu.memory_space<vmem>> -> memref<1x128x128xf32, #tpu.memory_space<vmem>>
      %dma_wait3A_262 = tpu.memref_squeeze %dma_wait3A_261 : memref<1x128x128xf32, #tpu.memory_space<vmem>> -> memref<128x128xf32, #tpu.memory_space<vmem>>
      %dma_wait3A_263 = arith.constant 0 : i32
      %dma_wait3A_264 = arith.constant 0 : i32
      %dma_wait3A_265 = tpu.memref_slice %arg3[%dma_wait3A_263, %dma_wait3A_264] : memref<100000x128xf32, #tpu.memory_space<hbm>> -> memref<128x128xf32, #tpu.memory_space<hbm>>
      tpu.wait_dma2 semaphore(%arg10 : memref<!tpu.dma_semaphore, #tpu.memory_space<semaphore_mem>>) src(%dma_wait3A_265 : memref<128x128xf32, #tpu.memory_space<hbm>>) dst(%dma_wait3A_262 : memref<128x128xf32, #tpu.memory_space<vmem>>)
      %mul3A_266 = arith.constant 128 : i32
      %mul3A_267 = arith.muli %add3A_250, %mul3A_266 : i32
      %add3A_268 = arith.addi %mul3A_2, %mul3A_267 : i32
      %dma_start3A_269 = arith.constant 3 : i32
      %dma_start3A_270 = arith.constant 0 : i32
      %dma_start3A_271 = arith.constant 0 : i32
      %dma_start3A_272 = tpu.memref_slice %arg6[%dma_start3A_269, %dma_start3A_270, %dma_start3A_271] : memref<5x128x128xf32, #tpu.memory_space<vmem>> -> memref<1x128x128xf32, #tpu.memory_space<vmem>>
      %dma_start3A_273 = tpu.memref_squeeze %dma_start3A_272 : memref<1x128x128xf32, #tpu.memory_space<vmem>> -> memref<128x128xf32, #tpu.memory_space<vmem>>
      %dma_start3A_274 = arith.constant 0 : i32
      %dma_start3A_275 = tpu.memref_slice %arg4[%add3A_268, %dma_start3A_274] : memref<204800x128xf32, #tpu.memory_space<hbm>> -> memref<128x128xf32, #tpu.memory_space<hbm>>
      %dma_start3A_276 = arith.constant 0 : i32
      %dma_start3A_277 = tpu.memref_slice %arg4[%add3A_268, %dma_start3A_276] : memref<204800x128xf32, #tpu.memory_space<hbm>> -> memref<128x128xf32, #tpu.memory_space<hbm>>
      %dma_start3A_278 = arith.constant 0 : i32
      %dma_start3A_279 = arith.constant 0 : i32
      %dma_start3A_280 = tpu.memref_slice %arg6[%dma_start3A_269, %dma_start3A_278, %dma_start3A_279] : memref<5x128x128xf32, #tpu.memory_space<vmem>> -> memref<1x128x128xf32, #tpu.memory_space<vmem>>
      %dma_start3A_281 = tpu.memref_squeeze %dma_start3A_280 : memref<1x128x128xf32, #tpu.memory_space<vmem>> -> memref<128x128xf32, #tpu.memory_space<vmem>>
      tpu.enqueue_dma source(%dma_start3A_281 : memref<128x128xf32, #tpu.memory_space<vmem>>) target(%dma_start3A_277 : memref<128x128xf32, #tpu.memory_space<hbm>>) target_semaphore(%arg15 : memref<!tpu.dma_semaphore, #tpu.memory_space<semaphore_mem>>)
      %add3A_282 = arith.constant 4 : i32
      %add3A_283 = arith.addi %add3A_250, %add3A_282 : i32
      %lt3A_284 = arith.constant 50 : i32
      %lt3A_285 = arith.cmpi slt, %add3A_283, %lt3A_284 : i32
      %convert_element_type3A_286 = arith.extui %lt3A_285 : i1 to i32
      %cond3A_287 = arith.constant 0 : i32
      %cond3A_288 = arith.cmpi ne, %convert_element_type3A_286, %cond3A_287 : i32
      scf.if %cond3A_288 {
        %add3A_332 = arith.constant 4 : i32
        %add3A_333 = arith.addi %add3A_250, %add3A_332 : i32
        %ge3A = arith.constant 5 : i32
        %ge3A_334 = arith.cmpi sge, %add3A_333, %ge3A : i32
        %convert_element_type3A_335 = arith.extui %ge3A_334 : i1 to i32
        %cond3A_336 = arith.constant 0 : i32
        %cond3A_337 = arith.cmpi ne, %convert_element_type3A_335, %cond3A_336 : i32
        scf.if %cond3A_337 {
          %dma_wait3A_351 = arith.constant 2 : i32
          %dma_wait3A_352 = arith.constant 0 : i32
          %dma_wait3A_353 = arith.constant 0 : i32
          %dma_wait3A_354 = tpu.memref_slice %arg6[%dma_wait3A_351, %dma_wait3A_352, %dma_wait3A_353] : memref<5x128x128xf32, #tpu.memory_space<vmem>> -> memref<1x128x128xf32, #tpu.memory_space<vmem>>
          %dma_wait3A_355 = tpu.memref_squeeze %dma_wait3A_354 : memref<1x128x128xf32, #tpu.memory_space<vmem>> -> memref<128x128xf32, #tpu.memory_space<vmem>>
          %dma_wait3A_356 = arith.constant 0 : i32
          %dma_wait3A_357 = arith.constant 0 : i32
          %dma_wait3A_358 = tpu.memref_slice %arg3[%dma_wait3A_356, %dma_wait3A_357] : memref<100000x128xf32, #tpu.memory_space<hbm>> -> memref<128x128xf32, #tpu.memory_space<hbm>>
          %dma_wait3A_359 = arith.constant 0 : i32
          %dma_wait3A_360 = arith.constant 0 : i32
          %dma_wait3A_361 = tpu.memref_slice %arg6[%dma_wait3A_351, %dma_wait3A_359, %dma_wait3A_360] : memref<5x128x128xf32, #tpu.memory_space<vmem>> -> memref<1x128x128xf32, #tpu.memory_space<vmem>>
          %dma_wait3A_362 = tpu.memref_squeeze %dma_wait3A_361 : memref<1x128x128xf32, #tpu.memory_space<vmem>> -> memref<128x128xf32, #tpu.memory_space<vmem>>
          %dma_wait3A_363 = arith.constant 0 : i32
          %dma_wait3A_364 = arith.constant 0 : i32
          %dma_wait3A_365 = tpu.memref_slice %arg3[%dma_wait3A_363, %dma_wait3A_364] : memref<100000x128xf32, #tpu.memory_space<hbm>> -> memref<128x128xf32, #tpu.memory_space<hbm>>
          tpu.wait_dma2 semaphore(%arg14 : memref<!tpu.dma_semaphore, #tpu.memory_space<semaphore_mem>>) src(%dma_wait3A_365 : memref<128x128xf32, #tpu.memory_space<hbm>>) dst(%dma_wait3A_362 : memref<128x128xf32, #tpu.memory_space<vmem>>)
        } else {
        }
        %add3A_338 = arith.constant 4 : i32
        %add3A_339 = arith.addi %add3A_250, %add3A_338 : i32
        %mul3A_340 = arith.constant 128 : i32
        %mul3A_341 = arith.muli %add3A_339, %mul3A_340 : i32
        %dma_start3A_342 = arith.constant 2 : i32
        %dma_start3A_343 = arith.constant 0 : i32
        %dma_start3A_344 = arith.constant 0 : i32
        %dma_start3A_345 = tpu.memref_slice %arg6[%dma_start3A_342, %dma_start3A_343, %dma_start3A_344] : memref<5x128x128xf32, #tpu.memory_space<vmem>> -> memref<1x128x128xf32, #tpu.memory_space<vmem>>
        %dma_start3A_346 = tpu.memref_squeeze %dma_start3A_345 : memref<1x128x128xf32, #tpu.memory_space<vmem>> -> memref<128x128xf32, #tpu.memory_space<vmem>>
        %dma_start3A_347 = tpu.memref_slice %arg5[%mul3A_341] : memref<6400xi32, #tpu.memory_space<vmem>> -> memref<128xi32, #tpu.memory_space<vmem>>
        %dma_start3A_348 = arith.constant 0 : i32
        %dma_start3A_349 = arith.constant 0 : i32
        %dma_start3A_350 = tpu.memref_slice %arg3[%dma_start3A_348, %dma_start3A_349] : memref<100000x128xf32, #tpu.memory_space<hbm>> -> memref<100000x128xf32, #tpu.memory_space<hbm>>
        tpu.enqueue_indirect_dma source(%dma_start3A_350 : memref<100000x128xf32, #tpu.memory_space<hbm>>) target(%dma_start3A_346 : memref<128x128xf32, #tpu.memory_space<vmem>>) offsets(%dma_start3A_347 : memref<128xi32, #tpu.memory_space<vmem>>) semaphore(%arg9 : memref<!tpu.dma_semaphore, #tpu.memory_space<semaphore_mem>>)
      } else {
      }
      %mul3A_289 = arith.constant 5 : i32
      %mul3A_290 = arith.muli %scan3A_122, %mul3A_289 : i32
      %add3A_291 = arith.constant 4 : i32
      %add3A_292 = arith.addi %mul3A_290, %add3A_291 : i32
      %dma_wait3A_293 = arith.constant 4 : i32
      %dma_wait3A_294 = arith.constant 0 : i32
      %dma_wait3A_295 = arith.constant 0 : i32
      %dma_wait3A_296 = tpu.memref_slice %arg6[%dma_wait3A_293, %dma_wait3A_294, %dma_wait3A_295] : memref<5x128x128xf32, #tpu.memory_space<vmem>> -> memref<1x128x128xf32, #tpu.memory_space<vmem>>
      %dma_wait3A_297 = tpu.memref_squeeze %dma_wait3A_296 : memref<1x128x128xf32, #tpu.memory_space<vmem>> -> memref<128x128xf32, #tpu.memory_space<vmem>>
      %dma_wait3A_298 = arith.constant 0 : i32
      %dma_wait3A_299 = arith.constant 0 : i32
      %dma_wait3A_300 = tpu.memref_slice %arg3[%dma_wait3A_298, %dma_wait3A_299] : memref<100000x128xf32, #tpu.memory_space<hbm>> -> memref<128x128xf32, #tpu.memory_space<hbm>>
      %dma_wait3A_301 = arith.constant 0 : i32
      %dma_wait3A_302 = arith.constant 0 : i32
      %dma_wait3A_303 = tpu.memref_slice %arg6[%dma_wait3A_293, %dma_wait3A_301, %dma_wait3A_302] : memref<5x128x128xf32, #tpu.memory_space<vmem>> -> memref<1x128x128xf32, #tpu.memory_space<vmem>>
      %dma_wait3A_304 = tpu.memref_squeeze %dma_wait3A_303 : memref<1x128x128xf32, #tpu.memory_space<vmem>> -> memref<128x128xf32, #tpu.memory_space<vmem>>
      %dma_wait3A_305 = arith.constant 0 : i32
      %dma_wait3A_306 = arith.constant 0 : i32
      %dma_wait3A_307 = tpu.memref_slice %arg3[%dma_wait3A_305, %dma_wait3A_306] : memref<100000x128xf32, #tpu.memory_space<hbm>> -> memref<128x128xf32, #tpu.memory_space<hbm>>
      tpu.wait_dma2 semaphore(%arg11 : memref<!tpu.dma_semaphore, #tpu.memory_space<semaphore_mem>>) src(%dma_wait3A_307 : memref<128x128xf32, #tpu.memory_space<hbm>>) dst(%dma_wait3A_304 : memref<128x128xf32, #tpu.memory_space<vmem>>)
      %mul3A_308 = arith.constant 128 : i32
      %mul3A_309 = arith.muli %add3A_292, %mul3A_308 : i32
      %add3A_310 = arith.addi %mul3A_2, %mul3A_309 : i32
      %dma_start3A_311 = arith.constant 4 : i32
      %dma_start3A_312 = arith.constant 0 : i32
      %dma_start3A_313 = arith.constant 0 : i32
      %dma_start3A_314 = tpu.memref_slice %arg6[%dma_start3A_311, %dma_start3A_312, %dma_start3A_313] : memref<5x128x128xf32, #tpu.memory_space<vmem>> -> memref<1x128x128xf32, #tpu.memory_space<vmem>>
      %dma_start3A_315 = tpu.memref_squeeze %dma_start3A_314 : memref<1x128x128xf32, #tpu.memory_space<vmem>> -> memref<128x128xf32, #tpu.memory_space<vmem>>
      %dma_start3A_316 = arith.constant 0 : i32
      %dma_start3A_317 = tpu.memref_slice %arg4[%add3A_310, %dma_start3A_316] : memref<204800x128xf32, #tpu.memory_space<hbm>> -> memref<128x128xf32, #tpu.memory_space<hbm>>
      %dma_start3A_318 = arith.constant 0 : i32
      %dma_start3A_319 = tpu.memref_slice %arg4[%add3A_310, %dma_start3A_318] : memref<204800x128xf32, #tpu.memory_space<hbm>> -> memref<128x128xf32, #tpu.memory_space<hbm>>
      %dma_start3A_320 = arith.constant 0 : i32
      %dma_start3A_321 = arith.constant 0 : i32
      %dma_start3A_322 = tpu.memref_slice %arg6[%dma_start3A_311, %dma_start3A_320, %dma_start3A_321] : memref<5x128x128xf32, #tpu.memory_space<vmem>> -> memref<1x128x128xf32, #tpu.memory_space<vmem>>
      %dma_start3A_323 = tpu.memref_squeeze %dma_start3A_322 : memref<1x128x128xf32, #tpu.memory_space<vmem>> -> memref<128x128xf32, #tpu.memory_space<vmem>>
      tpu.enqueue_dma source(%dma_start3A_323 : memref<128x128xf32, #tpu.memory_space<vmem>>) target(%dma_start3A_319 : memref<128x128xf32, #tpu.memory_space<hbm>>) target_semaphore(%arg16 : memref<!tpu.dma_semaphore, #tpu.memory_space<semaphore_mem>>)
      %add3A_324 = arith.constant 4 : i32
      %add3A_325 = arith.addi %add3A_292, %add3A_324 : i32
      %lt3A_326 = arith.constant 50 : i32
      %lt3A_327 = arith.cmpi slt, %add3A_325, %lt3A_326 : i32
      %convert_element_type3A_328 = arith.extui %lt3A_327 : i1 to i32
      %cond3A_329 = arith.constant 0 : i32
      %cond3A_330 = arith.cmpi ne, %convert_element_type3A_328, %cond3A_329 : i32
      scf.if %cond3A_330 {
        %add3A_332 = arith.constant 4 : i32
        %add3A_333 = arith.addi %add3A_292, %add3A_332 : i32
        %ge3A = arith.constant 5 : i32
        %ge3A_334 = arith.cmpi sge, %add3A_333, %ge3A : i32
        %convert_element_type3A_335 = arith.extui %ge3A_334 : i1 to i32
        %cond3A_336 = arith.constant 0 : i32
        %cond3A_337 = arith.cmpi ne, %convert_element_type3A_335, %cond3A_336 : i32
        scf.if %cond3A_337 {
          %dma_wait3A_351 = arith.constant 3 : i32
          %dma_wait3A_352 = arith.constant 0 : i32
          %dma_wait3A_353 = arith.constant 0 : i32
          %dma_wait3A_354 = tpu.memref_slice %arg6[%dma_wait3A_351, %dma_wait3A_352, %dma_wait3A_353] : memref<5x128x128xf32, #tpu.memory_space<vmem>> -> memref<1x128x128xf32, #tpu.memory_space<vmem>>
          %dma_wait3A_355 = tpu.memref_squeeze %dma_wait3A_354 : memref<1x128x128xf32, #tpu.memory_space<vmem>> -> memref<128x128xf32, #tpu.memory_space<vmem>>
          %dma_wait3A_356 = arith.constant 0 : i32
          %dma_wait3A_357 = arith.constant 0 : i32
          %dma_wait3A_358 = tpu.memref_slice %arg3[%dma_wait3A_356, %dma_wait3A_357] : memref<100000x128xf32, #tpu.memory_space<hbm>> -> memref<128x128xf32, #tpu.memory_space<hbm>>
          %dma_wait3A_359 = arith.constant 0 : i32
          %dma_wait3A_360 = arith.constant 0 : i32
          %dma_wait3A_361 = tpu.memref_slice %arg6[%dma_wait3A_351, %dma_wait3A_359, %dma_wait3A_360] : memref<5x128x128xf32, #tpu.memory_space<vmem>> -> memref<1x128x128xf32, #tpu.memory_space<vmem>>
          %dma_wait3A_362 = tpu.memref_squeeze %dma_wait3A_361 : memref<1x128x128xf32, #tpu.memory_space<vmem>> -> memref<128x128xf32, #tpu.memory_space<vmem>>
          %dma_wait3A_363 = arith.constant 0 : i32
          %dma_wait3A_364 = arith.constant 0 : i32
          %dma_wait3A_365 = tpu.memref_slice %arg3[%dma_wait3A_363, %dma_wait3A_364] : memref<100000x128xf32, #tpu.memory_space<hbm>> -> memref<128x128xf32, #tpu.memory_space<hbm>>
          tpu.wait_dma2 semaphore(%arg15 : memref<!tpu.dma_semaphore, #tpu.memory_space<semaphore_mem>>) src(%dma_wait3A_365 : memref<128x128xf32, #tpu.memory_space<hbm>>) dst(%dma_wait3A_362 : memref<128x128xf32, #tpu.memory_space<vmem>>)
        } else {
        }
        %add3A_338 = arith.constant 4 : i32
        %add3A_339 = arith.addi %add3A_292, %add3A_338 : i32
        %mul3A_340 = arith.constant 128 : i32
        %mul3A_341 = arith.muli %add3A_339, %mul3A_340 : i32
        %dma_start3A_342 = arith.constant 3 : i32
        %dma_start3A_343 = arith.constant 0 : i32
        %dma_start3A_344 = arith.constant 0 : i32
        %dma_start3A_345 = tpu.memref_slice %arg6[%dma_start3A_342, %dma_start3A_343, %dma_start3A_344] : memref<5x128x128xf32, #tpu.memory_space<vmem>> -> memref<1x128x128xf32, #tpu.memory_space<vmem>>
        %dma_start3A_346 = tpu.memref_squeeze %dma_start3A_345 : memref<1x128x128xf32, #tpu.memory_space<vmem>> -> memref<128x128xf32, #tpu.memory_space<vmem>>
        %dma_start3A_347 = tpu.memref_slice %arg5[%mul3A_341] : memref<6400xi32, #tpu.memory_space<vmem>> -> memref<128xi32, #tpu.memory_space<vmem>>
        %dma_start3A_348 = arith.constant 0 : i32
        %dma_start3A_349 = arith.constant 0 : i32
        %dma_start3A_350 = tpu.memref_slice %arg3[%dma_start3A_348, %dma_start3A_349] : memref<100000x128xf32, #tpu.memory_space<hbm>> -> memref<100000x128xf32, #tpu.memory_space<hbm>>
        tpu.enqueue_indirect_dma source(%dma_start3A_350 : memref<100000x128xf32, #tpu.memory_space<hbm>>) target(%dma_start3A_346 : memref<128x128xf32, #tpu.memory_space<vmem>>) offsets(%dma_start3A_347 : memref<128xi32, #tpu.memory_space<vmem>>) semaphore(%arg10 : memref<!tpu.dma_semaphore, #tpu.memory_space<semaphore_mem>>)
      } else {
      }
      %scan3A_331 = arith.constant 0 : i32
      scf.yield %scan3A_331 : i32
    }
    %scan3A_47 = arith.constant 10 : i32
    %dma_wait3A = arith.constant 0 : i32
    %dma_wait3A_48 = arith.constant 0 : i32
    %dma_wait3A_49 = arith.constant 0 : i32
    %dma_wait3A_50 = tpu.memref_slice %arg6[%dma_wait3A, %dma_wait3A_48, %dma_wait3A_49] : memref<5x128x128xf32, #tpu.memory_space<vmem>> -> memref<1x128x128xf32, #tpu.memory_space<vmem>>
    %dma_wait3A_51 = tpu.memref_squeeze %dma_wait3A_50 : memref<1x128x128xf32, #tpu.memory_space<vmem>> -> memref<128x128xf32, #tpu.memory_space<vmem>>
    %dma_wait3A_52 = arith.constant 0 : i32
    %dma_wait3A_53 = arith.constant 0 : i32
    %dma_wait3A_54 = tpu.memref_slice %arg3[%dma_wait3A_52, %dma_wait3A_53] : memref<100000x128xf32, #tpu.memory_space<hbm>> -> memref<128x128xf32, #tpu.memory_space<hbm>>
    %dma_wait3A_55 = arith.constant 0 : i32
    %dma_wait3A_56 = arith.constant 0 : i32
    %dma_wait3A_57 = tpu.memref_slice %arg6[%dma_wait3A, %dma_wait3A_55, %dma_wait3A_56] : memref<5x128x128xf32, #tpu.memory_space<vmem>> -> memref<1x128x128xf32, #tpu.memory_space<vmem>>
    %dma_wait3A_58 = tpu.memref_squeeze %dma_wait3A_57 : memref<1x128x128xf32, #tpu.memory_space<vmem>> -> memref<128x128xf32, #tpu.memory_space<vmem>>
    %dma_wait3A_59 = arith.constant 0 : i32
    %dma_wait3A_60 = arith.constant 0 : i32
    %dma_wait3A_61 = tpu.memref_slice %arg3[%dma_wait3A_59, %dma_wait3A_60] : memref<100000x128xf32, #tpu.memory_space<hbm>> -> memref<128x128xf32, #tpu.memory_space<hbm>>
    tpu.wait_dma2 semaphore(%arg12 : memref<!tpu.dma_semaphore, #tpu.memory_space<semaphore_mem>>) src(%dma_wait3A_61 : memref<128x128xf32, #tpu.memory_space<hbm>>) dst(%dma_wait3A_58 : memref<128x128xf32, #tpu.memory_space<vmem>>)
    %dma_wait3A_62 = arith.constant 1 : i32
    %dma_wait3A_63 = arith.constant 0 : i32
    %dma_wait3A_64 = arith.constant 0 : i32
    %dma_wait3A_65 = tpu.memref_slice %arg6[%dma_wait3A_62, %dma_wait3A_63, %dma_wait3A_64] : memref<5x128x128xf32, #tpu.memory_space<vmem>> -> memref<1x128x128xf32, #tpu.memory_space<vmem>>
    %dma_wait3A_66 = tpu.memref_squeeze %dma_wait3A_65 : memref<1x128x128xf32, #tpu.memory_space<vmem>> -> memref<128x128xf32, #tpu.memory_space<vmem>>
    %dma_wait3A_67 = arith.constant 0 : i32
    %dma_wait3A_68 = arith.constant 0 : i32
    %dma_wait3A_69 = tpu.memref_slice %arg3[%dma_wait3A_67, %dma_wait3A_68] : memref<100000x128xf32, #tpu.memory_space<hbm>> -> memref<128x128xf32, #tpu.memory_space<hbm>>
    %dma_wait3A_70 = arith.constant 0 : i32
    %dma_wait3A_71 = arith.constant 0 : i32
    %dma_wait3A_72 = tpu.memref_slice %arg6[%dma_wait3A_62, %dma_wait3A_70, %dma_wait3A_71] : memref<5x128x128xf32, #tpu.memory_space<vmem>> -> memref<1x128x128xf32, #tpu.memory_space<vmem>>
    %dma_wait3A_73 = tpu.memref_squeeze %dma_wait3A_72 : memref<1x128x128xf32, #tpu.memory_space<vmem>> -> memref<128x128xf32, #tpu.memory_space<vmem>>
    %dma_wait3A_74 = arith.constant 0 : i32
    %dma_wait3A_75 = arith.constant 0 : i32
    %dma_wait3A_76 = tpu.memref_slice %arg3[%dma_wait3A_74, %dma_wait3A_75] : memref<100000x128xf32, #tpu.memory_space<hbm>> -> memref<128x128xf32, #tpu.memory_space<hbm>>
    tpu.wait_dma2 semaphore(%arg13 : memref<!tpu.dma_semaphore, #tpu.memory_space<semaphore_mem>>) src(%dma_wait3A_76 : memref<128x128xf32, #tpu.memory_space<hbm>>) dst(%dma_wait3A_73 : memref<128x128xf32, #tpu.memory_space<vmem>>)
    %dma_wait3A_77 = arith.constant 2 : i32
    %dma_wait3A_78 = arith.constant 0 : i32
    %dma_wait3A_79 = arith.constant 0 : i32
    %dma_wait3A_80 = tpu.memref_slice %arg6[%dma_wait3A_77, %dma_wait3A_78, %dma_wait3A_79] : memref<5x128x128xf32, #tpu.memory_space<vmem>> -> memref<1x128x128xf32, #tpu.memory_space<vmem>>
    %dma_wait3A_81 = tpu.memref_squeeze %dma_wait3A_80 : memref<1x128x128xf32, #tpu.memory_space<vmem>> -> memref<128x128xf32, #tpu.memory_space<vmem>>
    %dma_wait3A_82 = arith.constant 0 : i32
    %dma_wait3A_83 = arith.constant 0 : i32
    %dma_wait3A_84 = tpu.memref_slice %arg3[%dma_wait3A_82, %dma_wait3A_83] : memref<100000x128xf32, #tpu.memory_space<hbm>> -> memref<128x128xf32, #tpu.memory_space<hbm>>
    %dma_wait3A_85 = arith.constant 0 : i32
    %dma_wait3A_86 = arith.constant 0 : i32
    %dma_wait3A_87 = tpu.memref_slice %arg6[%dma_wait3A_77, %dma_wait3A_85, %dma_wait3A_86] : memref<5x128x128xf32, #tpu.memory_space<vmem>> -> memref<1x128x128xf32, #tpu.memory_space<vmem>>
    %dma_wait3A_88 = tpu.memref_squeeze %dma_wait3A_87 : memref<1x128x128xf32, #tpu.memory_space<vmem>> -> memref<128x128xf32, #tpu.memory_space<vmem>>
    %dma_wait3A_89 = arith.constant 0 : i32
    %dma_wait3A_90 = arith.constant 0 : i32
    %dma_wait3A_91 = tpu.memref_slice %arg3[%dma_wait3A_89, %dma_wait3A_90] : memref<100000x128xf32, #tpu.memory_space<hbm>> -> memref<128x128xf32, #tpu.memory_space<hbm>>
    tpu.wait_dma2 semaphore(%arg14 : memref<!tpu.dma_semaphore, #tpu.memory_space<semaphore_mem>>) src(%dma_wait3A_91 : memref<128x128xf32, #tpu.memory_space<hbm>>) dst(%dma_wait3A_88 : memref<128x128xf32, #tpu.memory_space<vmem>>)
    %dma_wait3A_92 = arith.constant 3 : i32
    %dma_wait3A_93 = arith.constant 0 : i32
    %dma_wait3A_94 = arith.constant 0 : i32
    %dma_wait3A_95 = tpu.memref_slice %arg6[%dma_wait3A_92, %dma_wait3A_93, %dma_wait3A_94] : memref<5x128x128xf32, #tpu.memory_space<vmem>> -> memref<1x128x128xf32, #tpu.memory_space<vmem>>
    %dma_wait3A_96 = tpu.memref_squeeze %dma_wait3A_95 : memref<1x128x128xf32, #tpu.memory_space<vmem>> -> memref<128x128xf32, #tpu.memory_space<vmem>>
    %dma_wait3A_97 = arith.constant 0 : i32
    %dma_wait3A_98 = arith.constant 0 : i32
    %dma_wait3A_99 = tpu.memref_slice %arg3[%dma_wait3A_97, %dma_wait3A_98] : memref<100000x128xf32, #tpu.memory_space<hbm>> -> memref<128x128xf32, #tpu.memory_space<hbm>>
    %dma_wait3A_100 = arith.constant 0 : i32
    %dma_wait3A_101 = arith.constant 0 : i32
    %dma_wait3A_102 = tpu.memref_slice %arg6[%dma_wait3A_92, %dma_wait3A_100, %dma_wait3A_101] : memref<5x128x128xf32, #tpu.memory_space<vmem>> -> memref<1x128x128xf32, #tpu.memory_space<vmem>>
    %dma_wait3A_103 = tpu.memref_squeeze %dma_wait3A_102 : memref<1x128x128xf32, #tpu.memory_space<vmem>> -> memref<128x128xf32, #tpu.memory_space<vmem>>
    %dma_wait3A_104 = arith.constant 0 : i32
    %dma_wait3A_105 = arith.constant 0 : i32
    %dma_wait3A_106 = tpu.memref_slice %arg3[%dma_wait3A_104, %dma_wait3A_105] : memref<100000x128xf32, #tpu.memory_space<hbm>> -> memref<128x128xf32, #tpu.memory_space<hbm>>
    tpu.wait_dma2 semaphore(%arg15 : memref<!tpu.dma_semaphore, #tpu.memory_space<semaphore_mem>>) src(%dma_wait3A_106 : memref<128x128xf32, #tpu.memory_space<hbm>>) dst(%dma_wait3A_103 : memref<128x128xf32, #tpu.memory_space<vmem>>)
    %dma_wait3A_107 = arith.constant 4 : i32
    %dma_wait3A_108 = arith.constant 0 : i32
    %dma_wait3A_109 = arith.constant 0 : i32
    %dma_wait3A_110 = tpu.memref_slice %arg6[%dma_wait3A_107, %dma_wait3A_108, %dma_wait3A_109] : memref<5x128x128xf32, #tpu.memory_space<vmem>> -> memref<1x128x128xf32, #tpu.memory_space<vmem>>
    %dma_wait3A_111 = tpu.memref_squeeze %dma_wait3A_110 : memref<1x128x128xf32, #tpu.memory_space<vmem>> -> memref<128x128xf32, #tpu.memory_space<vmem>>
    %dma_wait3A_112 = arith.constant 0 : i32
    %dma_wait3A_113 = arith.constant 0 : i32
    %dma_wait3A_114 = tpu.memref_slice %arg3[%dma_wait3A_112, %dma_wait3A_113] : memref<100000x128xf32, #tpu.memory_space<hbm>> -> memref<128x128xf32, #tpu.memory_space<hbm>>
    %dma_wait3A_115 = arith.constant 0 : i32
    %dma_wait3A_116 = arith.constant 0 : i32
    %dma_wait3A_117 = tpu.memref_slice %arg6[%dma_wait3A_107, %dma_wait3A_115, %dma_wait3A_116] : memref<5x128x128xf32, #tpu.memory_space<vmem>> -> memref<1x128x128xf32, #tpu.memory_space<vmem>>
    %dma_wait3A_118 = tpu.memref_squeeze %dma_wait3A_117 : memref<1x128x128xf32, #tpu.memory_space<vmem>> -> memref<128x128xf32, #tpu.memory_space<vmem>>
    %dma_wait3A_119 = arith.constant 0 : i32
    %dma_wait3A_120 = arith.constant 0 : i32
    %dma_wait3A_121 = tpu.memref_slice %arg3[%dma_wait3A_119, %dma_wait3A_120] : memref<100000x128xf32, #tpu.memory_space<hbm>> -> memref<128x128xf32, #tpu.memory_space<hbm>>
    tpu.wait_dma2 semaphore(%arg16 : memref<!tpu.dma_semaphore, #tpu.memory_space<semaphore_mem>>) src(%dma_wait3A_121 : memref<128x128xf32, #tpu.memory_space<hbm>>) dst(%dma_wait3A_118 : memref<128x128xf32, #tpu.memory_space<vmem>>)
    return
  }
}

</mosaic_0001>

<sc_bundles>
// kernel: kernel.3.cloned.1.call-start
scs
__scs_entry_jumppad:
0x0: {  	(pc) =	sbr.rel $0x88, $3  }
0x1: {  	(tag) =	ssettag $0x0;
	lr =	simm.s32 $0x1  }
0x2: {  	[smem:$0x3F9F] =	sst lr;
	_ =	strace $0xD0000000  }
0x3: {  	_ = 	snop  }
0x4: {  	_ = 	snop  }
0x5: {  	_ = 	snop  }
0x6: {  	_ = 	snop  }
0x7: {  	_ = 	snop  }
__scs_overlays_trampoline_lowered:
0x8: {  	[smem:$0x3FAE] =	sst s0  }
0x9: {  	[smem:$0x3FAF] =	sst s1  }
0xa: {  	[smem:$0x3FB0] =	sst s2  }
0xb: {  	[smem:$0x3FB1] =	sst s3  }
0xc: {  	[smem:$0x3FB2] =	sst s4  }
0xd: {  	[smem:$0x3FB3] =	sst s5  }
0xe: {  	[smem:$0x3FB4] =	sst s6  }
0xf: {  	[smem:$0x3FB5] =	sst s7  }
0x10: {  	[smem:$0x3FB6] =	sst s8  }
0x11: {  	[smem:$0x3FB7] =	sst s9;
	s0 =	simm.s32 @!p0 $0x0  }
0x12: {  	s1 =	sld [smem:$0x3F9D];
	s0 =	simm.s32 @p0 $0x1  }
0x13: {  	[smem:$0x3FB8] =	sst s0;
	s0 =	simm.s32 @!p1 $0x0  }
0x14: {  	s2 =	sld [smem:$0x3F9C];
	s0 =	simm.s32 @p1 $0x1  }
0x15: {  	[smem:$0x3FB9] =	sst s0;
	s0 =	simm.s32 @!p2 $0x0  }
0x16: {  	s3 =	sld [smem:$0x3FDB];
	s0 =	simm.s32 @p2 $0x1  }
0x17: {  	s4 =	simm.s32 $0x1BF5;
	[smem:$0x3FBB] =	sst s0  }
0x18: {  	s0 =	sld [smem:$0x3F9E];
	_ =	swait.ge [sflag:s4], $0x0  }
0x19: {  	s7 =	sld [smem:$0x3F9F]  }
0x1a: {  	s8 =	sadd.s32 $0xFFFFE003, lr  }
0x1b: {  	s9 =	sadd.s32 $0xFFFFFEF7, lr;
	s5 =	simm.s32 $0xFFFFFFFF;
	p2 =	slt.u32 s8, $0xFFFFF086  }
0x1c: {  	p1 =	slt.u32 s9, $0xF7A;
	s5 =	simm.s32 @!p2 $0x0  }
0x1d: {  	s5 =	simm.s32 @p1 $0x1;
	p0 =	seq.s32 s7, s2  }
0x1e: {  	s7 =	smul.u32 @!p0 $0xF7A, s2;
	p2 =	seq.s32 @!p0 s5, $0x0  }
0x1f: {  	s9 =	smul.u32 $0xF7A, s1;
	s8 =	simm.s32 @!p0 $0x1BF5;
	p2 =	por !p2, p0  }
0x20: {  	[sflag:s8] =	ssyncset.s32 @!p0 $0xFFFFF086;
	s6 =	sadd.s32 @!p0 s3, s7;
	s7 =	simm.s32 @!p0 $0x108  }
0x21: {  	s3 =	sadd.s32 s3, s9;
	s6 =	sadd.s32 @!p0 $0x88, s6;
	s7 =	simm.s32 @p2 $0x1082  }
0x22: {  	[simem:s7], [sflag:s8] =	dma.local @!p0 [hbm:s6], $0xF7A  }
0x23: {  	s9 =	sor.u32 $0xD0000000, s2;
	s6 =	simm.s32 $0x108;
	_ =	swait.ge @!p0 [sflag:s8], $0x0  }
0x24: {  	s3 =	sadd.s32 $0x88, s3;
	s6 =	simm.s32 @!p1 $0x1082;
	[sflag:s4] =	ssyncset.s32 $0xFFFFF086  }
0x25: {  	[simem:s6], [sflag:s4] =	dma.local [hbm:s3], $0xF7A  }
0x26: {  	[smem:$0x3F9F] =	sst s1;
	(tag) =	ssettag s2;
	_ =	strace s9  }
0x27: {  	s1 =	sld [smem:$0x3FAF]  }
0x28: {  	s2 =	sld [smem:$0x3FB0]  }
0x29: {  	s4 =	sld [smem:$0x3FB2]  }
0x2a: {  	p0 =	seq.s32 s5, $0x0;
	s5 =	sld [smem:$0x3FB3]  }
0x2b: {  	s6 =	sld [smem:$0x3FB4]  }
0x2c: {  	s7 =	sld [smem:$0x3FB5]  }
0x2d: {  	s3 =	simm.s32 $0x108;
	s8 =	sld [smem:$0x3FB6]  }
0x2e: {  	s3 =	simm.s32 @!p0 $0x1082;
	s9 =	sld [smem:$0x3FB7]  }
0x2f: {  	lr =	sadd.s32 s0, s3;
	s0 =	sld [smem:$0x3FAE]  }
0x30: {  	s3 =	sld [smem:$0x3FB1]  }
0x31: {  	[smem:$0x3FBA] =	sst s10  }
0x32: {  	s10 =	sld [smem:$0x3FB8];
	_ =	sdelay $0x3  }
0x33: {  	p0 =	seq.s32 s10, $0x1;
	s10 =	sld [smem:$0x3FBA];
	_ =	sdelay $0x3  }
0x34: {  	[smem:$0x3FBA] =	sst s10  }
0x35: {  	s10 =	sld [smem:$0x3FB9];
	_ =	sdelay $0x3  }
0x36: {  	p1 =	seq.s32 s10, $0x1;
	s10 =	sld [smem:$0x3FBA];
	_ =	sdelay $0x3  }
0x37: {  	[smem:$0x3FBA] =	sst s10  }
0x38: {  	s10 =	sld [smem:$0x3FBB]  }
0x39: {  	_ = 	snop;
	(pc) =	sbr.ind lr, $3  }
0x3a: {  	_ = 	snop  }
0x3b: {  	_ = 	snop  }
0x3c: {  	p2 =	seq.s32 s10, $0x1;
	s10 =	sld [smem:$0x3FBA]  }
0x3d: {  	_ =	shalt  }
0x3e: {  	_ =	shalt  }
0x3f: {  	_ =	shalt  }
0x40: {  	_ =	shalt  }
0x41: {  	_ =	shalt  }
0x42: {  	_ =	shalt  }
0x43: {  	_ =	shalt  }
0x44: {  	_ =	shalt  }
0x45: {  	_ =	shalt  }
0x46: {  	_ =	shalt  }
0x47: {  	_ =	shalt  }
0x48: {  	_ =	shalt  }
0x49: {  	_ =	shalt  }
0x4a: {  	_ =	shalt  }
0x4b: {  	_ =	shalt  }
0x4c: {  	_ =	shalt  }
0x4d: {  	_ =	shalt  }
0x4e: {  	_ =	shalt  }
0x4f: {  	_ =	shalt  }
0x50: {  	_ =	shalt  }
0x51: {  	_ =	shalt  }
0x52: {  	_ =	shalt  }
0x53: {  	_ =	shalt  }
0x54: {  	_ =	shalt  }
0x55: {  	_ =	shalt  }
0x56: {  	_ =	shalt  }
0x57: {  	_ =	shalt  }
0x58: {  	_ =	shalt  }
0x59: {  	_ =	shalt  }
0x5a: {  	_ =	shalt  }
0x5b: {  	_ =	shalt  }
0x5c: {  	_ =	shalt  }
0x5d: {  	_ =	shalt  }
0x5e: {  	_ =	shalt  }
0x5f: {  	_ =	shalt  }
0x60: {  	_ =	shalt  }
0x61: {  	_ =	shalt  }
0x62: {  	_ =	shalt  }
0x63: {  	_ =	shalt  }
0x64: {  	_ =	shalt  }
0x65: {  	_ =	shalt  }
0x66: {  	_ =	shalt  }
0x67: {  	_ =	shalt  }
0x68: {  	_ =	shalt  }
0x69: {  	_ =	shalt  }
0x6a: {  	_ =	shalt  }
0x6b: {  	_ =	shalt  }
0x6c: {  	_ =	shalt  }
0x6d: {  	_ =	shalt  }
0x6e: {  	_ =	shalt  }
0x6f: {  	_ =	shalt  }
0x70: {  	_ =	shalt  }
0x71: {  	_ =	shalt  }
0x72: {  	_ =	shalt  }
0x73: {  	_ =	shalt  }
0x74: {  	_ =	shalt  }
0x75: {  	_ =	shalt  }
0x76: {  	_ =	shalt  }
0x77: {  	_ =	shalt  }
0x78: {  	_ =	shalt  }
0x79: {  	_ =	shalt  }
0x7a: {  	_ =	shalt  }
0x7b: {  	_ =	shalt  }
0x7c: {  	_ =	shalt  }
0x7d: {  	_ =	shalt  }
0x7e: {  	_ =	shalt  }
0x7f: {  	_ =	shalt  }
0x80: {  	_ =	shalt  }
0x81: {  	_ =	shalt  }
0x82: {  	_ =	shalt  }
0x83: {  	_ =	shalt  }
0x84: {  	_ =	shalt  }
0x85: {  	_ =	shalt  }
0x86: {  	_ =	shalt  }
0x87: {  	_ =	shalt  }
.Lfunc_end0:
.L_simem_size_0:
called_computation_lowered:
.L_overlay_start_0:
0x88: {  	s2 =	sld [smem:$0x3FD9]  }
0x89: {  	s3 =	sld [smem:$0x3FFE];
	_ =	sdelay $0x1  }
0x8a: {  	s1 =	srdreg.scid  }
0x8b: {  	s0 =	sand.u32 $0x1, s1  }
0x8c: {  	s17 =	sshll.u32 s0, $0xA;
	s2 =	sadd.s32 s3, s2  }
0x8d: {  	s2 =	sadd.s32 s2, s17  }
0x8e: {  	[smem:$0x3FC6] =	sst s2  }
0x8f: {  	_ = 	snop  }
0x90: {  	s2 =	sld [smem:$0x3FC8]  }
0x91: {  	s18 =	sld [smem:$0x3FD0];
	(tm) =	ssettm $0x1  }
0x92: {  	s4 =	sld [smem:$0x3FFB];
	_ =	sdelay $0x3  }
0x93: {  	_ =	strace s4  }
0x94: {  	s4 =	sld [smem:$0x3FFC];
	_ =	sdelay $0x3  }
0x95: {  	_ =	strace s4  }
0x96: {  	s4 =	sld [smem:$0x3FFD];
	_ =	sdelay $0x3  }
0x97: {  	_ =	strace s4  }
0x98: {  	_ =	strace $0x8FFFFFFF  }
0x99: {  	s19 =	sld [smem:$0x3FDB];
	_ =	sdelay $0x1  }
0x9a: {  	s5 =	simm.s32 $_scs_section_size  }
0x9b: {  	s6 =	simm.s32 $_size__tile_overlayer_lowered;
	s7 =	simm.s32 $_tile_overlayer_lowered  }
0x9c: {  	s22 =	simm.s32 $0x1BFF;
	s21 =	sshll.u32 s7, $0x1;
	s4 =	sadd.s32 s5, s19  }
0x9d: {  	s8 =	simm.s32 $0x0;
	s20 =	sshll.u32 s6, $0x1;
	s6 =	sadd.s32 s21, s4  }
0x9e: {  	[timem:s8], [sflag:s22] =	dma.local [hbm:s6], s20  }
0x9f: {  	_ =	swait.ge [sflag:s22], s20  }
0xa0: {  	s5 =	ssub.s32 $0x0, s20;
	[sflag:s22] =	ssyncset.done $0x0  }
0xa1: {  	[sflag:s22] =	ssyncadd.s32 s5;
	_ =	sdelay $0x1  }
0xa2: {  	s23 =	simm.s32 $0x1B8B  }
0xa3: {  	_ =	swait.ge [sflag:s23], $0x1  }
0xa4: {  	[sflag:s23] =	ssyncset.done $0x0  }
0xa5: {  	s25 =	simm.s32 $0x1B8E;
	s24 =	sld [smem:$0x3FFE];
	[sflag:s23] =	ssyncadd.s32 $0xFFFFFFFF  }
0xa6: {  	s26 =	simm.s32 $execute0_lowered;
	[smem:$0x3FD2] =	sst s25  }
0xa7: {  	s6 =	sshll.u32 s26, $0x1;
	_ =	strace $0x80000046;
	[dreg:$0x1] =	wrdreg $0xFFFFFFFF  }
0xa8: {  	s28 =	simm.s32 $_size_execute0_lowered;
	s4 =	sadd.s32 s4, s6;
	[dreg:$0x0] =	wrdreg $0x0  }
0xa9: {  	s6 =	sshll.u32 s28, $0x1;
	[dreg:$0x2] =	wrdreg s4  }
0xaa: {  	[dreg:$0x3] =	wrdreg s6  }
0xab: {  	[dreg:$0x4] =	wrdreg $0xC0  }
0xac: {  	_ =	task [dreg:s8], $0x5FFFF  }
0xad: {  	[dreg:$0x1] =	wrdreg $0xFFFFFFFF  }
0xae: {  	[dreg:$0x0] =	wrdreg $0x60  }
0xaf: {  	[dreg:$0x2] =	wrdreg s24  }
0xb0: {  	[dreg:$0x3] =	wrdreg s2  }
0xb1: {  	[dreg:$0x4] =	wrdreg s18  }
0xb2: {  	[dreg:$0x5] =	wrdreg $0x9  }
0xb3: {  	_ =	task.clear_ibuf [dreg:s8], $0x6FFFF;
	_ =	strace $0x90000046  }
0xb4: {  	s29 =	simm.s32 $0x9;
	_ =	strace $0x80000048  }
0xb5: {  	_ =	swait.ge [sflag:s29], $0x1  }
0xb6: {  	[sflag:s29] =	ssyncadd.s32 $0xFFFFFFFF  }
0xb7: {  	_ =	strace $0x90000048  }
0xb8: {  	_ =	sfence  }
0xb9: {  	s30 =	sld [smem:$0x0];
	_ =	sdelay $0x2  }
0xba: {  	s31 =	sshll.u32 s1, $0xD;
	s1 =	sshrl.u32 s1, $0x2  }
0xbb: {  	s3 =	sand.u32 $0x4000, s31;
	s1 =	sadd.s32 s1, s30  }
0xbc: {  	s0 =	sor.u32 s3, s0;
	s1 =	sshll.u32 s1, $0x11  }
0xbd: {  	s0 =	sor.u32 s1, s0  }
0xbe: {  	s0 =	sadd.s32 $0x8F2B, s0  }
0xbf: {  	[sflag:s0] =	ssyncadd.remote.s32 $0x1  }
0xc0: {  	_ =	sfence.sel $0xFFFF  }
0xc1: {  	[dreg:$0x0] =	wrdreg $0xFFFFFFFF;
	(pc) =	sbr.abs _section_cstart, $3  }
0xc2: {  	[dreg:$0x1] =	wrdreg $0xFFFFFFFF  }
0xc3: {  	_ =	task.clear_ibuf [dreg:s8], $0x2FFFF;
	_ =	strace $0x9FFFFFFF  }
0xc4: {  	(tm) =	ssettm $0x7FFFFFFF  }
0xc5: {  	_ =	shalt  }
tec
execute0_lowered:
.L_overlay_start_1:
0x0: {  	(tag) =	ssettag $0x1  }
0x1: {  	s1 =	rddreg [dreg:$0x0]  }
0x2: {  	s2 =	rddreg [dreg:$0x1];
	s4 =	srdreg.scid  }
0x3: {  	s0 =	stileid.u32;
	s3 =	rddreg [dreg:$0x2];
	s12 =	simm.s32 $0x1900  }
0x4: {  	s13 =	simm.s32 $0x5900;
	s17 =	simm.s32 $0xD900;
	s18 =	simm.s32 $0x1  }
0x5: {  	s19 =	simm.s32 $0x11900;
	s20 =	simm.s32 $0x2;
	s21 =	simm.s32 $0x4  }
0x6: {  	s22 =	simm.s32 $0x5;
	s23 =	simm.s32 $0x6;
	s9 =	smul.u32 $0x190000, s0  }
0x7: {  	s24 =	simm.s32 $0x7;
	s6 =	sand.u32 $0x1, s4;
	s31 =	smul.u32 $0x32000, s0  }
0x8: {  	s28 =	simm.s32 $0xA;
	s5 =	sshll.u32 s0, $0x1;
	s10 =	smul.u32 $0xC8000, s6  }
0x9: {  	s4 =	simm.s32 $0x0;
	s5 =	sor.u32 s6, s5;
	s11 =	smul.u32 $0x19000, s6  }
0xa: {  	s29 =	simm.s32 $0x0;
	[smem:$0x7FF] =	sst s4;
	s7 =	smul.u32 $0x1900, s5  }
0xb: {  	s26 =	ssub.s32 $0x2, s6;
	_ =	strace $0x80000047;
	s8 =	smul.u32 $0x19000, s5  }
0xc: {  	s30 =	sshrl.u32 s26, $0x1;
	s9 =	sadd.s32 s10, s9;
	s10 =	simm.s32 $0xB  }
.Ltmp0:
0xd: {  	s25 =	sshrl.u32 s7, $0x3;
	s7 =	ssub.s32 s26, s30;
	(pc) =	sbr.rel .LBB2_1-.Ltmp0, $4  }
0xe: {  	s8 =	sadd.s32 s3, s8;
	s9 =	sadd.s32 $0x10000, s9;
	s26 =	simm.s32 $0x9  }
0xf: {  	s1 =	sadd.s32 s25, s1;
	s6 =	smax.u32 s7, $0x1;
	s7 =	sadd.s32 $0x17800, s8  }
0x10: {  	s8 =	sadd.s32 s11, s31;
	s9 =	sshrl.u32 s9, $0x3;
	s1 =	sadd.s32 $0x400, s1  }
0x11: {  	s11 =	simm.s32 $0x80;
	s25 =	simm.s32 $0x8;
	[dreg:$0x4] =	wrdreg s1  }
.LBB2_4:
0x12: {  	_ =	swait.ge [sflag:s23], $0x4000  }
0x13: {  	[sflag:s23] =	ssyncset.done $0x0  }
0x14: {  	[sflag:s23] =	ssyncadd.s32 $0xFFFFC000  }
0x15: {  	_ =	swait.ge [sflag:s24], $0x4000  }
0x16: {  	[sflag:s24] =	ssyncset.done $0x0  }
0x17: {  	[sflag:s24] =	ssyncadd.s32 $0xFFFFC000  }
0x18: {  	_ =	swait.ge [sflag:s25], $0x4000  }
0x19: {  	[sflag:s25] =	ssyncset.done $0x0  }
0x1a: {  	s29 =	sadd.s32 $0x1, s29;
	[sflag:s25] =	ssyncadd.s32 $0xFFFFC000  }
0x1b: {  	p0 =	sne.s32 s29, s6;
	_ =	swait.ge [sflag:s26], $0x4000  }
.Ltmp1:
0x1c: {  	[sflag:s26] =	ssyncset.done $0x0;
	(pc) =	sbr.rel @!p0 .LBB2_5-.Ltmp1, $4  }
0x1d: {  	[sflag:s26] =	ssyncadd.s32 $0xFFFFC000  }
0x1e: {  	_ =	swait.ge [sflag:s28], $0x4000  }
0x1f: {  	[sflag:s28] =	ssyncset.done $0x0  }
0x20: {  	[sflag:s28] =	ssyncadd.s32 $0xFFFFC000  }
.LBB2_1:
0x21: {  	s0 =	rddreg [dreg:$0x4]  }
0x22: {  	[tilespmem:s4], [sflag:$0xB] =	stream.linear.gather [hbm4b:s0+s4], $0x1900, $0x38;
	[tilespmem:$0x15900] =	vst v63  }
0x23: {  	_ =	swait.ge [sflag:s10], $0x1900  }
0x24: {  	[sflag:s10] =	ssyncset.done $0x0  }
0x25: {  	[sflag:s10] =	ssyncadd.s32 $0xFFFFE700  }
0x26: {  	[tilespmem:s12], [sflag:$0x1] =	stream.indirect.gather [hbm4b:s2+s11], $0x80, s4, s11, $0xb8;
	[tilespmem:$0x15900] =	vst v63  }
0x27: {  	_ = 	snop  }
0x28: {  	[tilespmem:s13], [sflag:$0x2] =	stream.indirect.gather [hbm4b:s2+s11], $0x80, s11, s11, $0xb8;
	[tilespmem:$0x15900] =	vst v63  }
0x29: {  	s15 =	simm.s32 $0x100;
	s1 =	simm.s32 $0x9900  }
0x2a: {  	[tilespmem:s1], [sflag:$0x3] =	stream.indirect.gather [hbm4b:s2+s11], $0x80, s15, s11, $0xb8;
	[tilespmem:$0x15900] =	vst v63  }
0x2b: {  	s16 =	simm.s32 $0x180;
	s31 =	simm.s32 $0x0;
	s30 =	rddreg [dreg:$0x2]  }
0x2c: {  	[tilespmem:s17], [sflag:$0x4] =	stream.indirect.gather [hbm4b:s2+s11], $0x80, s16, s11, $0xb8;
	[tilespmem:$0x15900] =	vst v63  }
.LBB2_2:
0x2d: {  	_ =	swait.ge [sflag:s18], $0x4000  }
0x2e: {  	p0 =	seq.s32 s31, $0x0;
	[sflag:s18] =	ssyncset.done $0x0  }
0x2f: {  	s0 =	sadd.s32 s30, s8;
	s3 =	simm.s32 @!p0 $0xA;
	[sflag:s18] =	ssyncadd.s32 $0xFFFFC000  }
0x30: {  	[hbm4b:s0+s4] =	stream.linear.scatter [tilespmem:s12], [sflag:$0x6], $0x4000, $0x38;
	[tilespmem:$0x15900] =	vst v63  }
0x31: {  	_ =	swait.ge @!p0 [sflag:s3], $0x4000  }
0x32: {  	s1 =	sshra.s32 s31, $0x2;
	[sflag:s3] =	ssyncset.done @!p0 $0x0  }
0x33: {  	s14 =	sadd.s32 $0x200, s1;
	[sflag:s3] =	ssyncadd.s32 @!p0 $0xFFFFC000  }
0x34: {  	[tilespmem:s19], [sflag:$0x5] =	stream.indirect.gather [hbm4b:s2+s11], $0x80, s14, s11, $0xb8;
	[tilespmem:$0x15900] =	vst v63  }
0x35: {  	_ =	swait.ge [sflag:s20], $0x4000  }
0x36: {  	p0 =	seq.s32 s31, $0x5A00;
	[sflag:s20] =	ssyncset.done $0x0  }
0x37: {  	s15 =	sadd.s32 $0x800, s0;
	s3 =	simm.s32 @p0 $0x3;
	[sflag:s20] =	ssyncadd.s32 $0xFFFFC000  }
0x38: {  	[hbm4b:s15+s4] =	stream.linear.scatter [tilespmem:s13], [sflag:$0x7], $0x4000, $0x38;
	[tilespmem:$0x15900] =	vst v63  }
0x39: {  	_ =	swait.ge @p0 [sflag:s3], $0x4000  }
0x3a: {  	[sflag:s3] =	ssyncset.done @p0 $0x0  }
0x3b: {  	s14 =	simm.s32 @p0 $0x9900;
	[sflag:s3] =	ssyncadd.s32 @p0 $0xFFFFC000;
	s3 =	simm.s32 @p0 $0x0  }
0x3c: {  	[hbm4b:s7+s3] =	stream.linear.scatter @p0 [tilespmem:s14], [sflag:$0x8], $0x4000, $0x38;
	[tilespmem:$0x15900] =	vst v63  }
0x3d: {  	s3 =	simm.s32 @!p0 $0x6  }
0x3e: {  	_ =	swait.ge @!p0 [sflag:s3], $0x4000  }
0x3f: {  	[sflag:s3] =	ssyncset.done @!p0 $0x0  }
0x40: {  	[sflag:s3] =	ssyncadd.s32 @!p0 $0xFFFFC000;
	s3 =	sshra.s32 @!p0 s31, $0x2  }
0x41: {  	s16 =	simm.s32 @!p0 $0x1900;
	s15 =	simm.s32 @!p0 $0x80;
	s14 =	sadd.s32 @!p0 $0x280, s3  }
0x42: {  	[tilespmem:s16], [sflag:$0x1] =	stream.indirect.gather @!p0 [hbm4b:s2+s15], $0x80, s14, s15, $0xb8;
	[tilespmem:$0x15900] =	vst v63  }
0x43: {  	s14 =	simm.s32 @!p0 $0x3  }
0x44: {  	_ =	swait.ge @!p0 [sflag:s14], $0x4000  }
0x45: {  	[sflag:s14] =	ssyncset.done @!p0 $0x0  }
0x46: {  	[sflag:s14] =	ssyncadd.s32 @!p0 $0xFFFFC000;
	s14 =	sadd.s32 @!p0 s30, s8  }
0x47: {  	s5 =	simm.s32 @!p0 $0x9900;
	s16 =	simm.s32 @!p0 $0x0;
	s14 =	sadd.s32 @!p0 $0x1000, s14  }
0x48: {  	[hbm4b:s14+s16] =	stream.linear.scatter @!p0 [tilespmem:s5], [sflag:$0x8], $0x4000, $0x38;
	[tilespmem:$0x15900] =	vst v63  }
0x49: {  	s14 =	simm.s32 @!p0 $0x7  }
0x4a: {  	_ =	swait.ge @!p0 [sflag:s14], $0x4000  }
0x4b: {  	[sflag:s14] =	ssyncset.done @!p0 $0x0  }
0x4c: {  	s16 =	simm.s32 @!p0 $0x5900;
	[sflag:s14] =	ssyncadd.s32 @!p0 $0xFFFFC000;
	s14 =	sadd.s32 @!p0 $0x300, s3  }
0x4d: {  	[tilespmem:s16], [sflag:$0x2] =	stream.indirect.gather @!p0 [hbm4b:s2+s15], $0x80, s14, s15, $0xb8;
	[tilespmem:$0x15900] =	vst v63  }
0x4e: {  	_ =	swait.ge [sflag:s21], $0x4000  }
0x4f: {  	[sflag:s21] =	ssyncset.done $0x0  }
0x50: {  	s0 =	sadd.s32 $0x1800, s0;
	[sflag:s21] =	ssyncadd.s32 $0xFFFFC000  }
0x51: {  	[hbm4b:s0+s4] =	stream.linear.scatter [tilespmem:s17], [sflag:$0x9], $0x4000, $0x38;
	[tilespmem:$0x15900] =	vst v63  }
0x52: {  	s0 =	simm.s32 @!p0 $0x8  }
0x53: {  	_ =	swait.ge @!p0 [sflag:s0], $0x4000  }
0x54: {  	[sflag:s0] =	ssyncset.done @!p0 $0x0  }
0x55: {  	[sflag:s0] =	ssyncadd.s32 @!p0 $0xFFFFC000;
	s0 =	sadd.s32 @!p0 $0x380, s3  }
0x56: {  	[tilespmem:s5], [sflag:$0x3] =	stream.indirect.gather @!p0 [hbm4b:s2+s15], $0x80, s0, s15, $0xb8;
	[tilespmem:$0x15900] =	vst v63  }
.Ltmp2:
0x57: {  	_ = 	snop;
	(pc) =	sbr.rel @p0 .LBB2_4-.Ltmp2, $4  }
0x58: {  	_ =	swait.ge [sflag:s22], $0x4000  }
0x59: {  	[sflag:s22] =	ssyncset.done $0x0  }
0x5a: {  	s16 =	sadd.s32 s30, s9;
	[sflag:s22] =	ssyncadd.s32 $0xFFFFC000  }
0x5b: {  	[hbm4b:s16+s4] =	stream.linear.scatter [tilespmem:s19], [sflag:$0xA], $0x4000, $0x38;
	[tilespmem:$0x15900] =	vst v63  }
.Ltmp3:
0x5c: {  	(pc) =	sbr.rel .LBB2_2-.Ltmp3, $4  }
0x5d: {  	_ =	swait.ge [sflag:s26], $0x4000  }
0x5e: {  	s0 =	sadd.s32 $0x400, s1;
	[sflag:s26] =	ssyncset.done $0x0  }
0x5f: {  	s31 =	sadd.s32 $0xA00, s31;
	s30 =	sadd.s32 $0x2800, s30;
	[sflag:s26] =	ssyncadd.s32 $0xFFFFC000  }
0x60: {  	[tilespmem:s17], [sflag:$0x4] =	stream.indirect.gather [hbm4b:s2+s11], $0x80, s0, s11, $0xb8;
	[tilespmem:$0x15900] =	vst v63  }
.LBB2_5:
0x61: {  	_ =	sfence.sel $0x180000  }
0x62: {  	[bflag:$0x0] =	sbarrier.arrive $0xFFFF  }
0x63: {  	_ =	strace $0x90000047  }
0x64: {  	s0 =	stileid.u32;
	[bflag:$0x2] =	sbarrier.arrive $0xFFFF  }
0x65: {  	p0 =	sne.s32 s0, $0x0;
	s0 =	rddreg [dreg:$0x3]  }
0x66: {  	s0 =	sadd.s32 @!p0 $0x100000, s0  }
0x67: {  	[sflag:s0] =	ssyncadd.tile.s32 @!p0 $0x1;
	_ =	shalt  }
.Lfunc_end2:
_tile_overlayer_lowered:
.L_overlay_start_2:
0x68: {  	(tag) =	ssettag $0x2  }
0x69: {  	s0 =	rddreg [dreg:$0x0];
	s2 =	stileid.u32  }
0x6a: {  	s1 =	rddreg [dreg:$0x1];
	p0 =	sne.s32 s2, $0x0  }
0x6b: {  	s3 =	rddreg [dreg:$0x2];
	[bflag:$0x3] =	sbarrier.arrive $0xFFFF;
	s2 =	simm.s32 @!p0 $0x1C0B  }
0x6c: {  	[timem:s3], [sflag:s2] =	dma.local @!p0 [hbm:s0], s1  }
0x6d: {  	s0 =	simm.s32 @!p0 $0xB  }
0x6e: {  	_ =	swait.ge @!p0 [sflag:s0], s1  }
0x6f: {  	s1 =	ssub.s32 @!p0 $0x0, s1;
	[sflag:s0] =	ssyncset.done @!p0 $0x0  }
0x70: {  	[sflag:s0] =	ssyncadd.s32 @!p0 s1  }
0x71: {  	[bflag:$0x3] =	sbarrier.arrive $0xFFFF  }
0x72: {  	_ =	shalt  }

</sc_bundles>
